<compile_context>
chip_gen: v7x
topology: tpu7x:2x2x1
jax: 0.10.2.dev20260603
libtpu: 0.0.44.dev20260713+nightly
codegen_flags: <defaults>
</compile_context>

<pallas_src>
import functools

import jax
import jax.numpy as jnp
from jax import lax
from jax.experimental import pallas as pl
from jax.experimental.pallas import tpu as pltpu
from jax.experimental.pallas import tpu_sc as plsc

POOL = (2, 2)

NC, NS, L = 2, 16, 16

N = 2 * 256 * 256 * 96
OUT = N * POOL[0] * POOL[1]
CHUNK = 3 * (2 ** 19)
NPASS = OUT // (NC * CHUNK)
PER_TILE = N // NS
WP = 2048
NW = PER_TILE // WP
SLICE = CHUNK // NS
ZB = 4096
ACC = 4112
FLUSH_T = 2048


def _body(u_hbm, m_hbm, out_hbm,
          wi0, wi1, wv0, wv1, acc_i, acc_v, zbuf, spm,
          si0, si1, sv0, sv1):
    cid = lax.axis_index("c")
    sid = lax.axis_index("s")
    iota = lax.iota(jnp.int32, L)
    zero_v = jnp.zeros((L,), jnp.float32)
    tstart = sid * PER_TILE
    wi = (wi0, wi1)
    wv = (wv0, wv1)
    s_i = (si0, si1)
    s_v = (sv0, sv1)

    def zb_init(k, c):
        zbuf[pl.ds(k * L, L)] = zero_v
        return c

    lax.fori_loop(0, ZB // L, zb_init, 0)

    def reset_acc():
        def rb(k, c):
            acc_i[pl.ds(k * L, L)] = k * L + iota
            acc_v[pl.ds(k * L, L)] = zero_v
            return c

        lax.fori_loop(0, ACC // L, rb, 0)

    def flush():
        pltpu.sync_copy(acc_v, spm.at[acc_i], add=True)
        reset_acc()

    reset_acc()

    def pass_body(p, carry):
        base = (NC * p + cid) * CHUNK

        def zb_copy(z, c):
            pltpu.sync_copy(zbuf, spm.at[pl.ds(sid * SLICE + z * ZB, ZB)])
            return c

        lax.fori_loop(0, SLICE // ZB, zb_copy, 0)
        plsc.subcore_barrier()

        pltpu.async_copy(m_hbm.at[pl.ds(tstart, WP)], wi[0], s_i[0])
        pltpu.async_copy(u_hbm.at[pl.ds(tstart, WP)], wv[0], s_v[0])

        def wpair_body(i, off):
            for b in range(2):
                w = i * 2 + b
                pltpu.make_async_copy(
                    m_hbm.at[pl.ds(tstart, WP)], wi[b], s_i[b]).wait()
                pltpu.make_async_copy(
                    u_hbm.at[pl.ds(tstart, WP)], wv[b], s_v[b]).wait()

                @pl.when(w + 1 < NW)
                def _():
                    s2 = tstart + (w + 1) * WP
                    pltpu.async_copy(
                        m_hbm.at[pl.ds(s2, WP)], wi[1 - b], s_i[1 - b])
                    pltpu.async_copy(
                        u_hbm.at[pl.ds(s2, WP)], wv[1 - b], s_v[1 - b])

                UNROLL = 4

                def vbody(j, o):
                    for q in range(UNROLL):
                        jj = (j * UNROLL + q) * L
                        iv = wi[b][pl.ds(jj, L)]
                        vv = wv[b][pl.ds(jj, L)]
                        rel = iv - base
                        m = plsc.bitcast(rel, jnp.uint32) < jnp.uint32(CHUNK)
                        plsc.store_compressed(
                            acc_i.at[pl.ds(o, L)], rel, mask=m)
                        plsc.store_compressed(
                            acc_v.at[pl.ds(o, L)], vv, mask=m)
                        o = o + plsc.all_reduce_population_count(m)[0]
                    return o

                off = lax.fori_loop(0, WP // (L * UNROLL), vbody, off)

                @pl.when(off >= FLUSH_T)
                def _():
                    flush()

                off = jnp.where(off >= FLUSH_T, 0, off)
            return off

        lax.fori_loop(0, NW // 2, wpair_body, 0)
        flush()
        plsc.subcore_barrier()

        pltpu.sync_copy(
            spm.at[pl.ds(sid * SLICE, SLICE)],
            out_hbm.at[pl.ds(base + sid * SLICE, SLICE)])
        return carry

    lax.fori_loop(0, NPASS, pass_body, 0)


@jax.jit
def _unpool(u_flat, m_flat):
    mesh = plsc.VectorSubcoreMesh(
        core_axis_name="c", subcore_axis_name="s",
        num_cores=NC, num_subcores=NS)
    f = pl.kernel(
        _body,
        out_type=jax.ShapeDtypeStruct((OUT,), jnp.float32),
        mesh=mesh,
        compiler_params=pltpu.CompilerParams(needs_layout_passes=False),
        scratch_types=[
            pltpu.VMEM((WP,), jnp.int32),
            pltpu.VMEM((WP,), jnp.int32),
            pltpu.VMEM((WP,), jnp.float32),
            pltpu.VMEM((WP,), jnp.float32),
            pltpu.VMEM((ACC,), jnp.int32),
            pltpu.VMEM((ACC,), jnp.float32),
            pltpu.VMEM((ZB,), jnp.float32),
            pltpu.VMEM_SHARED((CHUNK,), jnp.float32),
            pltpu.SemaphoreType.DMA,
            pltpu.SemaphoreType.DMA,
            pltpu.SemaphoreType.DMA,
            pltpu.SemaphoreType.DMA,
        ],
    )
    return f(u_flat, m_flat)


def kernel(updates, mask):
    B, H, W, C = updates.shape
    out_h = H * POOL[0]
    out_w = W * POOL[1]
    u_flat = updates.reshape(-1)
    m_flat = mask.astype(jnp.int32).reshape(-1)
    ret = _unpool(u_flat, m_flat)
    return ret.reshape(-1, out_h, out_w, C)

# --- scband reference (transcript-rebuilt; emitter-appended) ---
"""Pipeline reference for scband-max-unpooling2-d-46832323395882 (READ-ONLY COPY).

The authoritative reference and input builder live on the scoring server;
editing this copy changes nothing except your own understanding.
"""

import jax, jax.numpy as jnp
import numpy as np

POOL_SIZE = (2, 2)

def setup_inputs(seed: int = 0) -> dict:
    key = jax.random.key(seed)
    k1, k2 = jax.random.split(key)
    B, H, W, C = 2, 256, 256, 96
    out_size = B * H * POOL_SIZE[0] * W * POOL_SIZE[1] * C
    updates = jax.random.normal(k1, (B, H, W, C), dtype=jnp.float32)
    mask = jax.random.randint(k2, (B, H, W, C), 0, out_size, dtype=jnp.int32)
    return {"updates": updates, "mask": mask}

def reference(updates, mask):
    # Faithful translation of Keras MaxUnpooling2D.call:
    # tf.scatter_nd(expand_dims(flatten(mask)), flatten(updates), [prod(output_shape)])
    # tf.scatter_nd accumulates (adds) duplicate indices.
    B, H, W, C = updates.shape
    out_h = H * POOL_SIZE[0]
    out_w = W * POOL_SIZE[1]
    out_size = B * out_h * out_w * C
    flat_mask = mask.astype(jnp.int32).reshape(-1)
    flat_updates = updates.reshape(-1)
    ret = jnp.zeros((out_size,), dtype=updates.dtype).at[flat_mask].add(flat_updates)
    return ret.reshape(-1, out_h, out_w, C)

if __name__ == "__main__":
    import jax
    _d = setup_inputs()
    print(jax.jit(kernel)(*tuple(_d.values())))

</pallas_src>

<mosaic_0001>
#map = affine_map<(d0, d1) -> (0)>
module attributes {stable_mosaic.version = 14 : i64} {
  func.func @_body(%arg0: i32, %arg1: i32, %arg2: memref<12582912xf32, #tpu.memory_space<hbm>>, %arg3: memref<12582912xi32, #tpu.memory_space<hbm>>, %arg4: memref<50331648xf32, #tpu.memory_space<hbm>>, %arg5: memref<2048xi32, #tpu.memory_space<vmem>>, %arg6: memref<2048xi32, #tpu.memory_space<vmem>>, %arg7: memref<2048xf32, #tpu.memory_space<vmem>>, %arg8: memref<2048xf32, #tpu.memory_space<vmem>>, %arg9: memref<4112xi32, #tpu.memory_space<vmem>>, %arg10: memref<4112xf32, #tpu.memory_space<vmem>>, %arg11: memref<4096xf32, #tpu.memory_space<vmem>>, %arg12: memref<1572864xf32, #tpu.memory_space<vmem_shared>>, %arg13: memref<!tpu.dma_semaphore, #tpu.memory_space<semaphore_mem>>, %arg14: memref<!tpu.dma_semaphore, #tpu.memory_space<semaphore_mem>>, %arg15: memref<!tpu.dma_semaphore, #tpu.memory_space<semaphore_mem>>, %arg16: memref<!tpu.dma_semaphore, #tpu.memory_space<semaphore_mem>>) attributes {dimension_semantics = [#tpu.dimension_semantics<core_parallel>, #tpu.dimension_semantics<subcore_parallel>], iteration_bounds = array<i64: 2, 16>, scalar_prefetch = 0 : i64, scratch_operands = 12 : i64, tpu.core_type = #tpu.core_type<sc_vector_subcore>, window_params = [{transform_indices = #map}, {transform_indices = #map}, {transform_indices = #map}]} {
    %iota3A = tpu.iota {dimensions = array<i32: 0>} : vector<16xi32>
    %broadcast_in_dim3A = arith.constant 0.000000e+00 : f32
    %broadcast_in_dim3A_0 = vector.broadcast %broadcast_in_dim3A : f32 to vector<16xf32>
    %mul3A = arith.constant 786432 : i32
    %mul3A_1 = arith.muli %arg1, %mul3A : i32
    %scan3A = arith.constant 0 : i32
    %scan3A_2 = arith.constant 0 : i32
    %scan3A_3 = arith.constant 256 : i32
    %scan3A_4 = arith.addi %scan3A_2, %scan3A_3 : i32
    %scan3A_5 = arith.constant 1 : i32
    scf.for %scan3A_19 = %scan3A_2 to %scan3A_4 step %scan3A_5  : i32 {
      %mul3A_20 = arith.constant 16 : i32
      %mul3A_21 = arith.muli %scan3A_19, %mul3A_20 : i32
      %swap3A = arith.index_cast %mul3A_21 : i32 to index
      %swap3A_22 = tpu.vector_load %arg11[%swap3A] {strides = array<i32>} : memref<4096xf32, #tpu.memory_space<vmem>>, vector<16xf32>,
      tpu.vector_store %arg11[%swap3A], %broadcast_in_dim3A_0 {strides = array<i32>} : memref<4096xf32, #tpu.memory_space<vmem>>, vector<16xf32>,
    }
    %scan3A_6 = arith.constant 256 : i32
    %scan3A_7 = arith.constant 0 : i32
    %scan3A_8 = arith.constant 0 : i32
    %scan3A_9 = arith.constant 257 : i32
    %scan3A_10 = arith.addi %scan3A_8, %scan3A_9 : i32
    %scan3A_11 = arith.constant 1 : i32
    scf.for %scan3A_19 = %scan3A_8 to %scan3A_10 step %scan3A_11  : i32 {
      %mul3A_20 = arith.constant 16 : i32
      %mul3A_21 = arith.muli %scan3A_19, %mul3A_20 : i32
      %add3A = vector.broadcast %mul3A_21 : i32 to vector<16xi32>
      %add3A_22 = arith.addi %add3A, %iota3A : vector<16xi32>
      %mul3A_23 = arith.constant 16 : i32
      %mul3A_24 = arith.muli %scan3A_19, %mul3A_23 : i32
      %swap3A = arith.index_cast %mul3A_24 : i32 to index
      %swap3A_25 = tpu.vector_load %arg9[%swap3A] {strides = array<i32>} : memref<4112xi32, #tpu.memory_space<vmem>>, vector<16xi32>,
      tpu.vector_store %arg9[%swap3A], %add3A_22 {strides = array<i32>} : memref<4112xi32, #tpu.memory_space<vmem>>, vector<16xi32>,
      %mul3A_26 = arith.constant 16 : i32
      %mul3A_27 = arith.muli %scan3A_19, %mul3A_26 : i32
      %swap3A_28 = arith.index_cast %mul3A_27 : i32 to index
      %swap3A_29 = tpu.vector_load %arg10[%swap3A_28] {strides = array<i32>} : memref<4112xf32, #tpu.memory_space<vmem>>, vector<16xf32>,
      tpu.vector_store %arg10[%swap3A_28], %broadcast_in_dim3A_0 {strides = array<i32>} : memref<4112xf32, #tpu.memory_space<vmem>>, vector<16xf32>,
    }
    %scan3A_12 = arith.constant 257 : i32
    %scan3A_13 = arith.constant 0 : i32
    %scan3A_14 = arith.constant 0 : i32
    %scan3A_15 = arith.constant 16 : i32
    %scan3A_16 = arith.addi %scan3A_14, %scan3A_15 : i32
    %scan3A_17 = arith.constant 1 : i32
    scf.for %scan3A_19 = %scan3A_14 to %scan3A_16 step %scan3A_17  : i32 {
      %mul3A_20 = arith.constant 2 : i32
      %mul3A_21 = arith.muli %mul3A_20, %scan3A_19 : i32
      %add3A = arith.addi %mul3A_21, %arg0 : i32
      %mul3A_22 = arith.constant 1572864 : i32
      %mul3A_23 = arith.muli %add3A, %mul3A_22 : i32
      %scan3A_24 = arith.constant 0 : i32
      %scan3A_25 = arith.constant 0 : i32
      %scan3A_26 = arith.constant 24 : i32
      %scan3A_27 = arith.addi %scan3A_25, %scan3A_26 : i32
      %scan3A_28 = arith.constant 1 : i32
      scf.for %scan3A_52 = %scan3A_25 to %scan3A_27 step %scan3A_28  : i32 {
        %mul3A_53 = arith.constant 98304 : i32
        %mul3A_54 = arith.muli %arg1, %mul3A_53 : i32
        %mul3A_55 = arith.constant 4096 : i32
        %mul3A_56 = arith.muli %scan3A_52, %mul3A_55 : i32
        %add3A_57 = arith.addi %mul3A_54, %mul3A_56 : i32
        "tpu.region"() ({
          %run_scoped3A = tpu.sem_alloc : memref<!tpu.dma_semaphore, #tpu.memory_space<semaphore_mem>>
          %dma_start3A_58 = tpu.memref_slice %arg12[%add3A_57] : memref<1572864xf32, #tpu.memory_space<vmem_shared>> -> memref<4096xf32, #tpu.memory_space<vmem_shared>>
          %dma_start3A_59 = tpu.memref_slice %arg12[%add3A_57] : memref<1572864xf32, #tpu.memory_space<vmem_shared>> -> memref<4096xf32, #tpu.memory_space<vmem_shared>>
          tpu.enqueue_dma source(%arg11 : memref<4096xf32, #tpu.memory_space<vmem>>) target(%dma_start3A_59 : memref<4096xf32, #tpu.memory_space<vmem_shared>>) target_semaphore(%run_scoped3A : memref<!tpu.dma_semaphore, #tpu.memory_space<semaphore_mem>>)
          %dma_wait3A = tpu.memref_slice %arg12[%add3A_57] : memref<1572864xf32, #tpu.memory_space<vmem_shared>> -> memref<4096xf32, #tpu.memory_space<vmem_shared>>
          %dma_wait3A_60 = tpu.memref_slice %arg12[%add3A_57] : memref<1572864xf32, #tpu.memory_space<vmem_shared>> -> memref<4096xf32, #tpu.memory_space<vmem_shared>>
          tpu.wait_dma2 semaphore(%run_scoped3A : memref<!tpu.dma_semaphore, #tpu.memory_space<semaphore_mem>>) src(%arg11 : memref<4096xf32, #tpu.memory_space<vmem>>) dst(%dma_wait3A_60 : memref<4096xf32, #tpu.memory_space<vmem_shared>>)
          tpu.yield
        }) : () -> ()
      }
      %scan3A_29 = arith.constant 24 : i32
      %barrier3A = arith.constant 0 : index
      tpu.barrier barrier_id(%barrier3A)
      %dma_start3A = tpu.memref_slice %arg3[%mul3A_1] : memref<12582912xi32, #tpu.memory_space<hbm>> -> memref<2048xi32, #tpu.memory_space<hbm>>
      %dma_start3A_30 = tpu.memref_slice %arg3[%mul3A_1] : memref<12582912xi32, #tpu.memory_space<hbm>> -> memref<2048xi32, #tpu.memory_space<hbm>>
      tpu.enqueue_dma source(%dma_start3A_30 : memref<2048xi32, #tpu.memory_space<hbm>>) target(%arg5 : memref<2048xi32, #tpu.memory_space<vmem>>) target_semaphore(%arg13 : memref<!tpu.dma_semaphore, #tpu.memory_space<semaphore_mem>>)
      %dma_start3A_31 = tpu.memref_slice %arg2[%mul3A_1] : memref<12582912xf32, #tpu.memory_space<hbm>> -> memref<2048xf32, #tpu.memory_space<hbm>>
      %dma_start3A_32 = tpu.memref_slice %arg2[%mul3A_1] : memref<12582912xf32, #tpu.memory_space<hbm>> -> memref<2048xf32, #tpu.memory_space<hbm>>
      tpu.enqueue_dma source(%dma_start3A_32 : memref<2048xf32, #tpu.memory_space<hbm>>) target(%arg7 : memref<2048xf32, #tpu.memory_space<vmem>>) target_semaphore(%arg15 : memref<!tpu.dma_semaphore, #tpu.memory_space<semaphore_mem>>)
      %scan3A_33 = arith.constant 0 : i32
      %scan3A_34 = arith.constant 0 : i32
      %scan3A_35 = arith.constant 192 : i32
      %scan3A_36 = arith.addi %scan3A_34, %scan3A_35 : i32
      %scan3A_37 = arith.constant 1 : i32
      %scan3A_38 = scf.for %scan3A_52 = %scan3A_34 to %scan3A_36 step %scan3A_37 iter_args(%scan3A_53 = %scan3A_33) -> (i32)  : i32 {
        %mul3A_54 = arith.constant 2 : i32
        %mul3A_55 = arith.muli %scan3A_52, %mul3A_54 : i32
        %add3A_56 = arith.constant 0 : i32
        %add3A_57 = arith.addi %mul3A_55, %add3A_56 : i32
        %dma_wait3A = tpu.memref_slice %arg3[%mul3A_1] : memref<12582912xi32, #tpu.memory_space<hbm>> -> memref<2048xi32, #tpu.memory_space<hbm>>
        %dma_wait3A_58 = tpu.memref_slice %arg3[%mul3A_1] : memref<12582912xi32, #tpu.memory_space<hbm>> -> memref<2048xi32, #tpu.memory_space<hbm>>
        tpu.wait_dma2 semaphore(%arg13 : memref<!tpu.dma_semaphore, #tpu.memory_space<semaphore_mem>>) src(%dma_wait3A_58 : memref<2048xi32, #tpu.memory_space<hbm>>) dst(%arg5 : memref<2048xi32, #tpu.memory_space<vmem>>)
        %dma_wait3A_59 = tpu.memref_slice %arg2[%mul3A_1] : memref<12582912xf32, #tpu.memory_space<hbm>> -> memref<2048xf32, #tpu.memory_space<hbm>>
        %dma_wait3A_60 = tpu.memref_slice %arg2[%mul3A_1] : memref<12582912xf32, #tpu.memory_space<hbm>> -> memref<2048xf32, #tpu.memory_space<hbm>>
        tpu.wait_dma2 semaphore(%arg15 : memref<!tpu.dma_semaphore, #tpu.memory_space<semaphore_mem>>) src(%dma_wait3A_60 : memref<2048xf32, #tpu.memory_space<hbm>>) dst(%arg7 : memref<2048xf32, #tpu.memory_space<vmem>>)
        %add3A_61 = arith.constant 1 : i32
        %add3A_62 = arith.addi %add3A_57, %add3A_61 : i32
        %lt3A = arith.constant 384 : i32
        %lt3A_63 = arith.cmpi slt, %add3A_62, %lt3A : i32
        %convert_element_type3A = arith.extui %lt3A_63 : i1 to i32
        %cond3A = arith.constant 0 : i32
        %cond3A_64 = arith.cmpi ne, %convert_element_type3A, %cond3A : i32
        scf.if %cond3A_64 {
          %add3A_107 = arith.constant 1 : i32
          %add3A_108 = arith.addi %add3A_57, %add3A_107 : i32
          %mul3A_109 = arith.constant 2048 : i32
          %mul3A_110 = arith.muli %add3A_108, %mul3A_109 : i32
          %add3A_111 = arith.addi %mul3A_1, %mul3A_110 : i32
          %dma_start3A_112 = tpu.memref_slice %arg3[%add3A_111] : memref<12582912xi32, #tpu.memory_space<hbm>> -> memref<2048xi32, #tpu.memory_space<hbm>>
          %dma_start3A_113 = tpu.memref_slice %arg3[%add3A_111] : memref<12582912xi32, #tpu.memory_space<hbm>> -> memref<2048xi32, #tpu.memory_space<hbm>>
          tpu.enqueue_dma source(%dma_start3A_113 : memref<2048xi32, #tpu.memory_space<hbm>>) target(%arg6 : memref<2048xi32, #tpu.memory_space<vmem>>) target_semaphore(%arg14 : memref<!tpu.dma_semaphore, #tpu.memory_space<semaphore_mem>>)
          %dma_start3A_114 = tpu.memref_slice %arg2[%add3A_111] : memref<12582912xf32, #tpu.memory_space<hbm>> -> memref<2048xf32, #tpu.memory_space<hbm>>
          %dma_start3A_115 = tpu.memref_slice %arg2[%add3A_111] : memref<12582912xf32, #tpu.memory_space<hbm>> -> memref<2048xf32, #tpu.memory_space<hbm>>
          tpu.enqueue_dma source(%dma_start3A_115 : memref<2048xf32, #tpu.memory_space<hbm>>) target(%arg8 : memref<2048xf32, #tpu.memory_space<vmem>>) target_semaphore(%arg16 : memref<!tpu.dma_semaphore, #tpu.memory_space<semaphore_mem>>)
        } else {
        }
        %scan3A_65 = arith.constant 0 : i32
        %scan3A_66 = arith.constant 32 : i32
        %scan3A_67 = arith.addi %scan3A_65, %scan3A_66 : i32
        %scan3A_68 = arith.constant 1 : i32
        %scan3A_69 = scf.for %scan3A_107 = %scan3A_65 to %scan3A_67 step %scan3A_68 iter_args(%scan3A_108 = %scan3A_53) -> (i32)  : i32 {
          %mul3A_109 = arith.constant 4 : i32
          %mul3A_110 = arith.muli %scan3A_107, %mul3A_109 : i32
          %add3A_111 = arith.constant 0 : i32
          %add3A_112 = arith.addi %mul3A_110, %add3A_111 : i32
          %mul3A_113 = arith.constant 16 : i32
          %mul3A_114 = arith.muli %add3A_112, %mul3A_113 : i32
          %get3A = arith.index_cast %mul3A_114 : i32 to index
          %get3A_115 = tpu.vector_load %arg5[%get3A] {strides = array<i32>} : memref<2048xi32, #tpu.memory_space<vmem>>, vector<16xi32>,
          %get3A_116 = arith.index_cast %mul3A_114 : i32 to index
          %get3A_117 = tpu.vector_load %arg7[%get3A_116] {strides = array<i32>} : memref<2048xf32, #tpu.memory_space<vmem>>, vector<16xf32>,
          %sub3A = vector.broadcast %mul3A_23 : i32 to vector<16xi32>
          %sub3A_118 = arith.subi %get3A_115, %sub3A : vector<16xi32>
          %bitcast3A = vector.bitcast %sub3A_118 : vector<16xi32> to vector<16xi32>
          %lt3A_119 = arith.constant 1572864 : i32
          %lt3A_120 = vector.broadcast %lt3A_119 : i32 to vector<16xi32>
          %lt3A_121 = arith.cmpi ult, %bitcast3A, %lt3A_120 : vector<16xi32>
          %swap3A = arith.index_cast %scan3A_108 : i32 to index
          %swap3A_122 = tpu.vector_load %arg9[%swap3A] masked %lt3A_121 {strides = array<i32>} : memref<4112xi32, #tpu.memory_space<vmem>>, vector<16xi32>, vector<16xi1>
          tpu.vector_store %arg9[%swap3A], %sub3A_118 masked %lt3A_121 {strides = array<i32>} : memref<4112xi32, #tpu.memory_space<vmem>>, vector<16xi32>, vector<16xi1>
          %swap3A_123 = arith.index_cast %scan3A_108 : i32 to index
          %swap3A_124 = tpu.vector_load %arg10[%swap3A_123] masked %lt3A_121 {strides = array<i32>} : memref<4112xf32, #tpu.memory_space<vmem>>, vector<16xf32>, vector<16xi1>
          tpu.vector_store %arg10[%swap3A_123], %get3A_117 masked %lt3A_121 {strides = array<i32>} : memref<4112xf32, #tpu.memory_space<vmem>>, vector<16xf32>, vector<16xi1>
          %all_reduce_population_count3A = tpu.all_reduce %lt3A_121 {dim = 0 : i64, kind = #tpu.reduction_kind<sum>} : vector<16xi1> -> vector<16xi32>
          %slice3A = vector.extract_strided_slice %all_reduce_population_count3A {offsets = [0], sizes = [1], strides = [1]} : vector<16xi32> to vector<1xi32>
          %squeeze3A = vector.extract %slice3A[0] : i32 from vector<1xi32>
          %add3A_125 = arith.addi %scan3A_108, %squeeze3A : i32
          %mul3A_126 = arith.constant 4 : i32
          %mul3A_127 = arith.muli %scan3A_107, %mul3A_126 : i32
          %add3A_128 = arith.constant 1 : i32
          %add3A_129 = arith.addi %mul3A_127, %add3A_128 : i32
          %mul3A_130 = arith.constant 16 : i32
          %mul3A_131 = arith.muli %add3A_129, %mul3A_130 : i32
          %get3A_132 = arith.index_cast %mul3A_131 : i32 to index
          %get3A_133 = tpu.vector_load %arg5[%get3A_132] {strides = array<i32>} : memref<2048xi32, #tpu.memory_space<vmem>>, vector<16xi32>,
          %get3A_134 = arith.index_cast %mul3A_131 : i32 to index
          %get3A_135 = tpu.vector_load %arg7[%get3A_134] {strides = array<i32>} : memref<2048xf32, #tpu.memory_space<vmem>>, vector<16xf32>,
          %sub3A_136 = vector.broadcast %mul3A_23 : i32 to vector<16xi32>
          %sub3A_137 = arith.subi %get3A_133, %sub3A_136 : vector<16xi32>
          %bitcast3A_138 = vector.bitcast %sub3A_137 : vector<16xi32> to vector<16xi32>
          %lt3A_139 = arith.constant 1572864 : i32
          %lt3A_140 = vector.broadcast %lt3A_139 : i32 to vector<16xi32>
          %lt3A_141 = arith.cmpi ult, %bitcast3A_138, %lt3A_140 : vector<16xi32>
          %swap3A_142 = arith.index_cast %add3A_125 : i32 to index
          %swap3A_143 = tpu.vector_load %arg9[%swap3A_142] masked %lt3A_141 {strides = array<i32>} : memref<4112xi32, #tpu.memory_space<vmem>>, vector<16xi32>, vector<16xi1>
          tpu.vector_store %arg9[%swap3A_142], %sub3A_137 masked %lt3A_141 {strides = array<i32>} : memref<4112xi32, #tpu.memory_space<vmem>>, vector<16xi32>, vector<16xi1>
          %swap3A_144 = arith.index_cast %add3A_125 : i32 to index
          %swap3A_145 = tpu.vector_load %arg10[%swap3A_144] masked %lt3A_141 {strides = array<i32>} : memref<4112xf32, #tpu.memory_space<vmem>>, vector<16xf32>, vector<16xi1>
          tpu.vector_store %arg10[%swap3A_144], %get3A_135 masked %lt3A_141 {strides = array<i32>} : memref<4112xf32, #tpu.memory_space<vmem>>, vector<16xf32>, vector<16xi1>
          %all_reduce_population_count3A_146 = tpu.all_reduce %lt3A_141 {dim = 0 : i64, kind = #tpu.reduction_kind<sum>} : vector<16xi1> -> vector<16xi32>
          %slice3A_147 = vector.extract_strided_slice %all_reduce_population_count3A_146 {offsets = [0], sizes = [1], strides = [1]} : vector<16xi32> to vector<1xi32>
          %squeeze3A_148 = vector.extract %slice3A_147[0] : i32 from vector<1xi32>
          %add3A_149 = arith.addi %add3A_125, %squeeze3A_148 : i32
          %mul3A_150 = arith.constant 4 : i32
          %mul3A_151 = arith.muli %scan3A_107, %mul3A_150 : i32
          %add3A_152 = arith.constant 2 : i32
          %add3A_153 = arith.addi %mul3A_151, %add3A_152 : i32
          %mul3A_154 = arith.constant 16 : i32
          %mul3A_155 = arith.muli %add3A_153, %mul3A_154 : i32
          %get3A_156 = arith.index_cast %mul3A_155 : i32 to index
          %get3A_157 = tpu.vector_load %arg5[%get3A_156] {strides = array<i32>} : memref<2048xi32, #tpu.memory_space<vmem>>, vector<16xi32>,
          %get3A_158 = arith.index_cast %mul3A_155 : i32 to index
          %get3A_159 = tpu.vector_load %arg7[%get3A_158] {strides = array<i32>} : memref<2048xf32, #tpu.memory_space<vmem>>, vector<16xf32>,
          %sub3A_160 = vector.broadcast %mul3A_23 : i32 to vector<16xi32>
          %sub3A_161 = arith.subi %get3A_157, %sub3A_160 : vector<16xi32>
          %bitcast3A_162 = vector.bitcast %sub3A_161 : vector<16xi32> to vector<16xi32>
          %lt3A_163 = arith.constant 1572864 : i32
          %lt3A_164 = vector.broadcast %lt3A_163 : i32 to vector<16xi32>
          %lt3A_165 = arith.cmpi ult, %bitcast3A_162, %lt3A_164 : vector<16xi32>
          %swap3A_166 = arith.index_cast %add3A_149 : i32 to index
          %swap3A_167 = tpu.vector_load %arg9[%swap3A_166] masked %lt3A_165 {strides = array<i32>} : memref<4112xi32, #tpu.memory_space<vmem>>, vector<16xi32>, vector<16xi1>
          tpu.vector_store %arg9[%swap3A_166], %sub3A_161 masked %lt3A_165 {strides = array<i32>} : memref<4112xi32, #tpu.memory_space<vmem>>, vector<16xi32>, vector<16xi1>
          %swap3A_168 = arith.index_cast %add3A_149 : i32 to index
          %swap3A_169 = tpu.vector_load %arg10[%swap3A_168] masked %lt3A_165 {strides = array<i32>} : memref<4112xf32, #tpu.memory_space<vmem>>, vector<16xf32>, vector<16xi1>
          tpu.vector_store %arg10[%swap3A_168], %get3A_159 masked %lt3A_165 {strides = array<i32>} : memref<4112xf32, #tpu.memory_space<vmem>>, vector<16xf32>, vector<16xi1>
          %all_reduce_population_count3A_170 = tpu.all_reduce %lt3A_165 {dim = 0 : i64, kind = #tpu.reduction_kind<sum>} : vector<16xi1> -> vector<16xi32>
          %slice3A_171 = vector.extract_strided_slice %all_reduce_population_count3A_170 {offsets = [0], sizes = [1], strides = [1]} : vector<16xi32> to vector<1xi32>
          %squeeze3A_172 = vector.extract %slice3A_171[0] : i32 from vector<1xi32>
          %add3A_173 = arith.addi %add3A_149, %squeeze3A_172 : i32
          %mul3A_174 = arith.constant 4 : i32
          %mul3A_175 = arith.muli %scan3A_107, %mul3A_174 : i32
          %add3A_176 = arith.constant 3 : i32
          %add3A_177 = arith.addi %mul3A_175, %add3A_176 : i32
          %mul3A_178 = arith.constant 16 : i32
          %mul3A_179 = arith.muli %add3A_177, %mul3A_178 : i32
          %get3A_180 = arith.index_cast %mul3A_179 : i32 to index
          %get3A_181 = tpu.vector_load %arg5[%get3A_180] {strides = array<i32>} : memref<2048xi32, #tpu.memory_space<vmem>>, vector<16xi32>,
          %get3A_182 = arith.index_cast %mul3A_179 : i32 to index
          %get3A_183 = tpu.vector_load %arg7[%get3A_182] {strides = array<i32>} : memref<2048xf32, #tpu.memory_space<vmem>>, vector<16xf32>,
          %sub3A_184 = vector.broadcast %mul3A_23 : i32 to vector<16xi32>
          %sub3A_185 = arith.subi %get3A_181, %sub3A_184 : vector<16xi32>
          %bitcast3A_186 = vector.bitcast %sub3A_185 : vector<16xi32> to vector<16xi32>
          %lt3A_187 = arith.constant 1572864 : i32
          %lt3A_188 = vector.broadcast %lt3A_187 : i32 to vector<16xi32>
          %lt3A_189 = arith.cmpi ult, %bitcast3A_186, %lt3A_188 : vector<16xi32>
          %swap3A_190 = arith.index_cast %add3A_173 : i32 to index
          %swap3A_191 = tpu.vector_load %arg9[%swap3A_190] masked %lt3A_189 {strides = array<i32>} : memref<4112xi32, #tpu.memory_space<vmem>>, vector<16xi32>, vector<16xi1>
          tpu.vector_store %arg9[%swap3A_190], %sub3A_185 masked %lt3A_189 {strides = array<i32>} : memref<4112xi32, #tpu.memory_space<vmem>>, vector<16xi32>, vector<16xi1>
          %swap3A_192 = arith.index_cast %add3A_173 : i32 to index
          %swap3A_193 = tpu.vector_load %arg10[%swap3A_192] masked %lt3A_189 {strides = array<i32>} : memref<4112xf32, #tpu.memory_space<vmem>>, vector<16xf32>, vector<16xi1>
          tpu.vector_store %arg10[%swap3A_192], %get3A_183 masked %lt3A_189 {strides = array<i32>} : memref<4112xf32, #tpu.memory_space<vmem>>, vector<16xf32>, vector<16xi1>
          %all_reduce_population_count3A_194 = tpu.all_reduce %lt3A_189 {dim = 0 : i64, kind = #tpu.reduction_kind<sum>} : vector<16xi1> -> vector<16xi32>
          %slice3A_195 = vector.extract_strided_slice %all_reduce_population_count3A_194 {offsets = [0], sizes = [1], strides = [1]} : vector<16xi32> to vector<1xi32>
          %squeeze3A_196 = vector.extract %slice3A_195[0] : i32 from vector<1xi32>
          %add3A_197 = arith.addi %add3A_173, %squeeze3A_196 : i32
          scf.yield %add3A_197 : i32
        }
        %scan3A_70 = arith.constant 32 : i32
        %ge3A = arith.constant 2048 : i32
        %ge3A_71 = arith.cmpi sge, %scan3A_69, %ge3A : i32
        %convert_element_type3A_72 = arith.extui %ge3A_71 : i1 to i32
        %cond3A_73 = arith.constant 0 : i32
        %cond3A_74 = arith.cmpi ne, %convert_element_type3A_72, %cond3A_73 : i32
        scf.if %cond3A_74 {
          "tpu.region"() ({
            %run_scoped3A = tpu.sem_alloc : memref<!tpu.dma_semaphore, #tpu.memory_space<semaphore_mem>>
            %dma_start3A_113 = arith.constant 0 : i32
            %dma_start3A_114 = tpu.memref_slice %arg12[%dma_start3A_113] : memref<1572864xf32, #tpu.memory_space<vmem_shared>> -> memref<1572864xf32, #tpu.memory_space<vmem_shared>>
            tpu.enqueue_indirect_dma source(%arg10 : memref<4112xf32, #tpu.memory_space<vmem>>) target(%dma_start3A_114 : memref<1572864xf32, #tpu.memory_space<vmem_shared>>) offsets(%arg9 : memref<4112xi32, #tpu.memory_space<vmem>>) semaphore(%run_scoped3A : memref<!tpu.dma_semaphore, #tpu.memory_space<semaphore_mem>>) {add = true}
            %dma_wait3A_115 = arith.constant 0 : i32
            %dma_wait3A_116 = tpu.memref_slice %arg12[%dma_wait3A_115] : memref<1572864xf32, #tpu.memory_space<vmem_shared>> -> memref<1572864xf32, #tpu.memory_space<vmem_shared>>
            tpu.wait_indirect_dma semaphore(%run_scoped3A : memref<!tpu.dma_semaphore, #tpu.memory_space<semaphore_mem>>) src(%arg10 : memref<4112xf32, #tpu.memory_space<vmem>>) dst(%dma_wait3A_116 : memref<1572864xf32, #tpu.memory_space<vmem_shared>>)
            tpu.yield
          }) : () -> ()
          %scan3A_107 = arith.constant 0 : i32
          %scan3A_108 = arith.constant 0 : i32
          %scan3A_109 = arith.constant 257 : i32
          %scan3A_110 = arith.addi %scan3A_108, %scan3A_109 : i32
          %scan3A_111 = arith.constant 1 : i32
          scf.for %scan3A_113 = %scan3A_108 to %scan3A_110 step %scan3A_111  : i32 {
            %mul3A_114 = arith.constant 16 : i32
            %mul3A_115 = arith.muli %scan3A_113, %mul3A_114 : i32
            %add3A_116 = vector.broadcast %mul3A_115 : i32 to vector<16xi32>
            %add3A_117 = arith.addi %add3A_116, %iota3A : vector<16xi32>
            %mul3A_118 = arith.constant 16 : i32
            %mul3A_119 = arith.muli %scan3A_113, %mul3A_118 : i32
            %swap3A = arith.index_cast %mul3A_119 : i32 to index
            %swap3A_120 = tpu.vector_load %arg9[%swap3A] {strides = array<i32>} : memref<4112xi32, #tpu.memory_space<vmem>>, vector<16xi32>,
            tpu.vector_store %arg9[%swap3A], %add3A_117 {strides = array<i32>} : memref<4112xi32, #tpu.memory_space<vmem>>, vector<16xi32>,
            %mul3A_121 = arith.constant 16 : i32
            %mul3A_122 = arith.muli %scan3A_113, %mul3A_121 : i32
            %swap3A_123 = arith.index_cast %mul3A_122 : i32 to index
            %swap3A_124 = tpu.vector_load %arg10[%swap3A_123] {strides = array<i32>} : memref<4112xf32, #tpu.memory_space<vmem>>, vector<16xf32>,
            tpu.vector_store %arg10[%swap3A_123], %broadcast_in_dim3A_0 {strides = array<i32>} : memref<4112xf32, #tpu.memory_space<vmem>>, vector<16xf32>,
          }
          %scan3A_112 = arith.constant 257 : i32
        } else {
        }
        %ge3A_75 = arith.constant 2048 : i32
        %ge3A_76 = arith.cmpi sge, %scan3A_69, %ge3A_75 : i32
        %jit3A = arith.constant 0 : i32
        %select_n3A = arith.select %ge3A_76, %jit3A, %scan3A_69 : i32
        %mul3A_77 = arith.constant 2 : i32
        %mul3A_78 = arith.muli %scan3A_52, %mul3A_77 : i32
        %add3A_79 = arith.constant 1 : i32
        %add3A_80 = arith.addi %mul3A_78, %add3A_79 : i32
        %dma_wait3A_81 = tpu.memref_slice %arg3[%mul3A_1] : memref<12582912xi32, #tpu.memory_space<hbm>> -> memref<2048xi32, #tpu.memory_space<hbm>>
        %dma_wait3A_82 = tpu.memref_slice %arg3[%mul3A_1] : memref<12582912xi32, #tpu.memory_space<hbm>> -> memref<2048xi32, #tpu.memory_space<hbm>>
        tpu.wait_dma2 semaphore(%arg14 : memref<!tpu.dma_semaphore, #tpu.memory_space<semaphore_mem>>) src(%dma_wait3A_82 : memref<2048xi32, #tpu.memory_space<hbm>>) dst(%arg6 : memref<2048xi32, #tpu.memory_space<vmem>>)
        %dma_wait3A_83 = tpu.memref_slice %arg2[%mul3A_1] : memref<12582912xf32, #tpu.memory_space<hbm>> -> memref<2048xf32, #tpu.memory_space<hbm>>
        %dma_wait3A_84 = tpu.memref_slice %arg2[%mul3A_1] : memref<12582912xf32, #tpu.memory_space<hbm>> -> memref<2048xf32, #tpu.memory_space<hbm>>
        tpu.wait_dma2 semaphore(%arg16 : memref<!tpu.dma_semaphore, #tpu.memory_space<semaphore_mem>>) src(%dma_wait3A_84 : memref<2048xf32, #tpu.memory_space<hbm>>) dst(%arg8 : memref<2048xf32, #tpu.memory_space<vmem>>)
        %add3A_85 = arith.constant 1 : i32
        %add3A_86 = arith.addi %add3A_80, %add3A_85 : i32
        %lt3A_87 = arith.constant 384 : i32
        %lt3A_88 = arith.cmpi slt, %add3A_86, %lt3A_87 : i32
        %convert_element_type3A_89 = arith.extui %lt3A_88 : i1 to i32
        %cond3A_90 = arith.constant 0 : i32
        %cond3A_91 = arith.cmpi ne, %convert_element_type3A_89, %cond3A_90 : i32
        scf.if %cond3A_91 {
          %add3A_107 = arith.constant 1 : i32
          %add3A_108 = arith.addi %add3A_80, %add3A_107 : i32
          %mul3A_109 = arith.constant 2048 : i32
          %mul3A_110 = arith.muli %add3A_108, %mul3A_109 : i32
          %add3A_111 = arith.addi %mul3A_1, %mul3A_110 : i32
          %dma_start3A_112 = tpu.memref_slice %arg3[%add3A_111] : memref<12582912xi32, #tpu.memory_space<hbm>> -> memref<2048xi32, #tpu.memory_space<hbm>>
          %dma_start3A_113 = tpu.memref_slice %arg3[%add3A_111] : memref<12582912xi32, #tpu.memory_space<hbm>> -> memref<2048xi32, #tpu.memory_space<hbm>>
          tpu.enqueue_dma source(%dma_start3A_113 : memref<2048xi32, #tpu.memory_space<hbm>>) target(%arg5 : memref<2048xi32, #tpu.memory_space<vmem>>) target_semaphore(%arg13 : memref<!tpu.dma_semaphore, #tpu.memory_space<semaphore_mem>>)
          %dma_start3A_114 = tpu.memref_slice %arg2[%add3A_111] : memref<12582912xf32, #tpu.memory_space<hbm>> -> memref<2048xf32, #tpu.memory_space<hbm>>
          %dma_start3A_115 = tpu.memref_slice %arg2[%add3A_111] : memref<12582912xf32, #tpu.memory_space<hbm>> -> memref<2048xf32, #tpu.memory_space<hbm>>
          tpu.enqueue_dma source(%dma_start3A_115 : memref<2048xf32, #tpu.memory_space<hbm>>) target(%arg7 : memref<2048xf32, #tpu.memory_space<vmem>>) target_semaphore(%arg15 : memref<!tpu.dma_semaphore, #tpu.memory_space<semaphore_mem>>)
        } else {
        }
        %scan3A_92 = arith.constant 0 : i32
        %scan3A_93 = arith.constant 32 : i32
        %scan3A_94 = arith.addi %scan3A_92, %scan3A_93 : i32
        %scan3A_95 = arith.constant 1 : i32
        %scan3A_96 = scf.for %scan3A_107 = %scan3A_92 to %scan3A_94 step %scan3A_95 iter_args(%scan3A_108 = %select_n3A) -> (i32)  : i32 {
          %mul3A_109 = arith.constant 4 : i32
          %mul3A_110 = arith.muli %scan3A_107, %mul3A_109 : i32
          %add3A_111 = arith.constant 0 : i32
          %add3A_112 = arith.addi %mul3A_110, %add3A_111 : i32
          %mul3A_113 = arith.constant 16 : i32
          %mul3A_114 = arith.muli %add3A_112, %mul3A_113 : i32
          %get3A = arith.index_cast %mul3A_114 : i32 to index
          %get3A_115 = tpu.vector_load %arg6[%get3A] {strides = array<i32>} : memref<2048xi32, #tpu.memory_space<vmem>>, vector<16xi32>,
          %get3A_116 = arith.index_cast %mul3A_114 : i32 to index
          %get3A_117 = tpu.vector_load %arg8[%get3A_116] {strides = array<i32>} : memref<2048xf32, #tpu.memory_space<vmem>>, vector<16xf32>,
          %sub3A = vector.broadcast %mul3A_23 : i32 to vector<16xi32>
          %sub3A_118 = arith.subi %get3A_115, %sub3A : vector<16xi32>
          %bitcast3A = vector.bitcast %sub3A_118 : vector<16xi32> to vector<16xi32>
          %lt3A_119 = arith.constant 1572864 : i32
          %lt3A_120 = vector.broadcast %lt3A_119 : i32 to vector<16xi32>
          %lt3A_121 = arith.cmpi ult, %bitcast3A, %lt3A_120 : vector<16xi32>
          %swap3A = arith.index_cast %scan3A_108 : i32 to index
          %swap3A_122 = tpu.vector_load %arg9[%swap3A] masked %lt3A_121 {strides = array<i32>} : memref<4112xi32, #tpu.memory_space<vmem>>, vector<16xi32>, vector<16xi1>
          tpu.vector_store %arg9[%swap3A], %sub3A_118 masked %lt3A_121 {strides = array<i32>} : memref<4112xi32, #tpu.memory_space<vmem>>, vector<16xi32>, vector<16xi1>
          %swap3A_123 = arith.index_cast %scan3A_108 : i32 to index
          %swap3A_124 = tpu.vector_load %arg10[%swap3A_123] masked %lt3A_121 {strides = array<i32>} : memref<4112xf32, #tpu.memory_space<vmem>>, vector<16xf32>, vector<16xi1>
          tpu.vector_store %arg10[%swap3A_123], %get3A_117 masked %lt3A_121 {strides = array<i32>} : memref<4112xf32, #tpu.memory_space<vmem>>, vector<16xf32>, vector<16xi1>
          %all_reduce_population_count3A = tpu.all_reduce %lt3A_121 {dim = 0 : i64, kind = #tpu.reduction_kind<sum>} : vector<16xi1> -> vector<16xi32>
          %slice3A = vector.extract_strided_slice %all_reduce_population_count3A {offsets = [0], sizes = [1], strides = [1]} : vector<16xi32> to vector<1xi32>
          %squeeze3A = vector.extract %slice3A[0] : i32 from vector<1xi32>
          %add3A_125 = arith.addi %scan3A_108, %squeeze3A : i32
          %mul3A_126 = arith.constant 4 : i32
          %mul3A_127 = arith.muli %scan3A_107, %mul3A_126 : i32
          %add3A_128 = arith.constant 1 : i32
          %add3A_129 = arith.addi %mul3A_127, %add3A_128 : i32
          %mul3A_130 = arith.constant 16 : i32
          %mul3A_131 = arith.muli %add3A_129, %mul3A_130 : i32
          %get3A_132 = arith.index_cast %mul3A_131 : i32 to index
          %get3A_133 = tpu.vector_load %arg6[%get3A_132] {strides = array<i32>} : memref<2048xi32, #tpu.memory_space<vmem>>, vector<16xi32>,
          %get3A_134 = arith.index_cast %mul3A_131 : i32 to index
          %get3A_135 = tpu.vector_load %arg8[%get3A_134] {strides = array<i32>} : memref<2048xf32, #tpu.memory_space<vmem>>, vector<16xf32>,
          %sub3A_136 = vector.broadcast %mul3A_23 : i32 to vector<16xi32>
          %sub3A_137 = arith.subi %get3A_133, %sub3A_136 : vector<16xi32>
          %bitcast3A_138 = vector.bitcast %sub3A_137 : vector<16xi32> to vector<16xi32>
          %lt3A_139 = arith.constant 1572864 : i32
          %lt3A_140 = vector.broadcast %lt3A_139 : i32 to vector<16xi32>
          %lt3A_141 = arith.cmpi ult, %bitcast3A_138, %lt3A_140 : vector<16xi32>
          %swap3A_142 = arith.index_cast %add3A_125 : i32 to index
          %swap3A_143 = tpu.vector_load %arg9[%swap3A_142] masked %lt3A_141 {strides = array<i32>} : memref<4112xi32, #tpu.memory_space<vmem>>, vector<16xi32>, vector<16xi1>
          tpu.vector_store %arg9[%swap3A_142], %sub3A_137 masked %lt3A_141 {strides = array<i32>} : memref<4112xi32, #tpu.memory_space<vmem>>, vector<16xi32>, vector<16xi1>
          %swap3A_144 = arith.index_cast %add3A_125 : i32 to index
          %swap3A_145 = tpu.vector_load %arg10[%swap3A_144] masked %lt3A_141 {strides = array<i32>} : memref<4112xf32, #tpu.memory_space<vmem>>, vector<16xf32>, vector<16xi1>
          tpu.vector_store %arg10[%swap3A_144], %get3A_135 masked %lt3A_141 {strides = array<i32>} : memref<4112xf32, #tpu.memory_space<vmem>>, vector<16xf32>, vector<16xi1>
          %all_reduce_population_count3A_146 = tpu.all_reduce %lt3A_141 {dim = 0 : i64, kind = #tpu.reduction_kind<sum>} : vector<16xi1> -> vector<16xi32>
          %slice3A_147 = vector.extract_strided_slice %all_reduce_population_count3A_146 {offsets = [0], sizes = [1], strides = [1]} : vector<16xi32> to vector<1xi32>
          %squeeze3A_148 = vector.extract %slice3A_147[0] : i32 from vector<1xi32>
          %add3A_149 = arith.addi %add3A_125, %squeeze3A_148 : i32
          %mul3A_150 = arith.constant 4 : i32
          %mul3A_151 = arith.muli %scan3A_107, %mul3A_150 : i32
          %add3A_152 = arith.constant 2 : i32
          %add3A_153 = arith.addi %mul3A_151, %add3A_152 : i32
          %mul3A_154 = arith.constant 16 : i32
          %mul3A_155 = arith.muli %add3A_153, %mul3A_154 : i32
          %get3A_156 = arith.index_cast %mul3A_155 : i32 to index
          %get3A_157 = tpu.vector_load %arg6[%get3A_156] {strides = array<i32>} : memref<2048xi32, #tpu.memory_space<vmem>>, vector<16xi32>,
          %get3A_158 = arith.index_cast %mul3A_155 : i32 to index
          %get3A_159 = tpu.vector_load %arg8[%get3A_158] {strides = array<i32>} : memref<2048xf32, #tpu.memory_space<vmem>>, vector<16xf32>,
          %sub3A_160 = vector.broadcast %mul3A_23 : i32 to vector<16xi32>
          %sub3A_161 = arith.subi %get3A_157, %sub3A_160 : vector<16xi32>
          %bitcast3A_162 = vector.bitcast %sub3A_161 : vector<16xi32> to vector<16xi32>
          %lt3A_163 = arith.constant 1572864 : i32
          %lt3A_164 = vector.broadcast %lt3A_163 : i32 to vector<16xi32>
          %lt3A_165 = arith.cmpi ult, %bitcast3A_162, %lt3A_164 : vector<16xi32>
          %swap3A_166 = arith.index_cast %add3A_149 : i32 to index
          %swap3A_167 = tpu.vector_load %arg9[%swap3A_166] masked %lt3A_165 {strides = array<i32>} : memref<4112xi32, #tpu.memory_space<vmem>>, vector<16xi32>, vector<16xi1>
          tpu.vector_store %arg9[%swap3A_166], %sub3A_161 masked %lt3A_165 {strides = array<i32>} : memref<4112xi32, #tpu.memory_space<vmem>>, vector<16xi32>, vector<16xi1>
          %swap3A_168 = arith.index_cast %add3A_149 : i32 to index
          %swap3A_169 = tpu.vector_load %arg10[%swap3A_168] masked %lt3A_165 {strides = array<i32>} : memref<4112xf32, #tpu.memory_space<vmem>>, vector<16xf32>, vector<16xi1>
          tpu.vector_store %arg10[%swap3A_168], %get3A_159 masked %lt3A_165 {strides = array<i32>} : memref<4112xf32, #tpu.memory_space<vmem>>, vector<16xf32>, vector<16xi1>
          %all_reduce_population_count3A_170 = tpu.all_reduce %lt3A_165 {dim = 0 : i64, kind = #tpu.reduction_kind<sum>} : vector<16xi1> -> vector<16xi32>
          %slice3A_171 = vector.extract_strided_slice %all_reduce_population_count3A_170 {offsets = [0], sizes = [1], strides = [1]} : vector<16xi32> to vector<1xi32>
          %squeeze3A_172 = vector.extract %slice3A_171[0] : i32 from vector<1xi32>
          %add3A_173 = arith.addi %add3A_149, %squeeze3A_172 : i32
          %mul3A_174 = arith.constant 4 : i32
          %mul3A_175 = arith.muli %scan3A_107, %mul3A_174 : i32
          %add3A_176 = arith.constant 3 : i32
          %add3A_177 = arith.addi %mul3A_175, %add3A_176 : i32
          %mul3A_178 = arith.constant 16 : i32
          %mul3A_179 = arith.muli %add3A_177, %mul3A_178 : i32
          %get3A_180 = arith.index_cast %mul3A_179 : i32 to index
          %get3A_181 = tpu.vector_load %arg6[%get3A_180] {strides = array<i32>} : memref<2048xi32, #tpu.memory_space<vmem>>, vector<16xi32>,
          %get3A_182 = arith.index_cast %mul3A_179 : i32 to index
          %get3A_183 = tpu.vector_load %arg8[%get3A_182] {strides = array<i32>} : memref<2048xf32, #tpu.memory_space<vmem>>, vector<16xf32>,
          %sub3A_184 = vector.broadcast %mul3A_23 : i32 to vector<16xi32>
          %sub3A_185 = arith.subi %get3A_181, %sub3A_184 : vector<16xi32>
          %bitcast3A_186 = vector.bitcast %sub3A_185 : vector<16xi32> to vector<16xi32>
          %lt3A_187 = arith.constant 1572864 : i32
          %lt3A_188 = vector.broadcast %lt3A_187 : i32 to vector<16xi32>
          %lt3A_189 = arith.cmpi ult, %bitcast3A_186, %lt3A_188 : vector<16xi32>
          %swap3A_190 = arith.index_cast %add3A_173 : i32 to index
          %swap3A_191 = tpu.vector_load %arg9[%swap3A_190] masked %lt3A_189 {strides = array<i32>} : memref<4112xi32, #tpu.memory_space<vmem>>, vector<16xi32>, vector<16xi1>
          tpu.vector_store %arg9[%swap3A_190], %sub3A_185 masked %lt3A_189 {strides = array<i32>} : memref<4112xi32, #tpu.memory_space<vmem>>, vector<16xi32>, vector<16xi1>
          %swap3A_192 = arith.index_cast %add3A_173 : i32 to index
          %swap3A_193 = tpu.vector_load %arg10[%swap3A_192] masked %lt3A_189 {strides = array<i32>} : memref<4112xf32, #tpu.memory_space<vmem>>, vector<16xf32>, vector<16xi1>
          tpu.vector_store %arg10[%swap3A_192], %get3A_183 masked %lt3A_189 {strides = array<i32>} : memref<4112xf32, #tpu.memory_space<vmem>>, vector<16xf32>, vector<16xi1>
          %all_reduce_population_count3A_194 = tpu.all_reduce %lt3A_189 {dim = 0 : i64, kind = #tpu.reduction_kind<sum>} : vector<16xi1> -> vector<16xi32>
          %slice3A_195 = vector.extract_strided_slice %all_reduce_population_count3A_194 {offsets = [0], sizes = [1], strides = [1]} : vector<16xi32> to vector<1xi32>
          %squeeze3A_196 = vector.extract %slice3A_195[0] : i32 from vector<1xi32>
          %add3A_197 = arith.addi %add3A_173, %squeeze3A_196 : i32
          scf.yield %add3A_197 : i32
        }
        %scan3A_97 = arith.constant 32 : i32
        %ge3A_98 = arith.constant 2048 : i32
        %ge3A_99 = arith.cmpi sge, %scan3A_96, %ge3A_98 : i32
        %convert_element_type3A_100 = arith.extui %ge3A_99 : i1 to i32
        %cond3A_101 = arith.constant 0 : i32
        %cond3A_102 = arith.cmpi ne, %convert_element_type3A_100, %cond3A_101 : i32
        scf.if %cond3A_102 {
          "tpu.region"() ({
            %run_scoped3A = tpu.sem_alloc : memref<!tpu.dma_semaphore, #tpu.memory_space<semaphore_mem>>
            %dma_start3A_113 = arith.constant 0 : i32
            %dma_start3A_114 = tpu.memref_slice %arg12[%dma_start3A_113] : memref<1572864xf32, #tpu.memory_space<vmem_shared>> -> memref<1572864xf32, #tpu.memory_space<vmem_shared>>
            tpu.enqueue_indirect_dma source(%arg10 : memref<4112xf32, #tpu.memory_space<vmem>>) target(%dma_start3A_114 : memref<1572864xf32, #tpu.memory_space<vmem_shared>>) offsets(%arg9 : memref<4112xi32, #tpu.memory_space<vmem>>) semaphore(%run_scoped3A : memref<!tpu.dma_semaphore, #tpu.memory_space<semaphore_mem>>) {add = true}
            %dma_wait3A_115 = arith.constant 0 : i32
            %dma_wait3A_116 = tpu.memref_slice %arg12[%dma_wait3A_115] : memref<1572864xf32, #tpu.memory_space<vmem_shared>> -> memref<1572864xf32, #tpu.memory_space<vmem_shared>>
            tpu.wait_indirect_dma semaphore(%run_scoped3A : memref<!tpu.dma_semaphore, #tpu.memory_space<semaphore_mem>>) src(%arg10 : memref<4112xf32, #tpu.memory_space<vmem>>) dst(%dma_wait3A_116 : memref<1572864xf32, #tpu.memory_space<vmem_shared>>)
            tpu.yield
          }) : () -> ()
          %scan3A_107 = arith.constant 0 : i32
          %scan3A_108 = arith.constant 0 : i32
          %scan3A_109 = arith.constant 257 : i32
          %scan3A_110 = arith.addi %scan3A_108, %scan3A_109 : i32
          %scan3A_111 = arith.constant 1 : i32
          scf.for %scan3A_113 = %scan3A_108 to %scan3A_110 step %scan3A_111  : i32 {
            %mul3A_114 = arith.constant 16 : i32
            %mul3A_115 = arith.muli %scan3A_113, %mul3A_114 : i32
            %add3A_116 = vector.broadcast %mul3A_115 : i32 to vector<16xi32>
            %add3A_117 = arith.addi %add3A_116, %iota3A : vector<16xi32>
            %mul3A_118 = arith.constant 16 : i32
            %mul3A_119 = arith.muli %scan3A_113, %mul3A_118 : i32
            %swap3A = arith.index_cast %mul3A_119 : i32 to index
            %swap3A_120 = tpu.vector_load %arg9[%swap3A] {strides = array<i32>} : memref<4112xi32, #tpu.memory_space<vmem>>, vector<16xi32>,
            tpu.vector_store %arg9[%swap3A], %add3A_117 {strides = array<i32>} : memref<4112xi32, #tpu.memory_space<vmem>>, vector<16xi32>,
            %mul3A_121 = arith.constant 16 : i32
            %mul3A_122 = arith.muli %scan3A_113, %mul3A_121 : i32
            %swap3A_123 = arith.index_cast %mul3A_122 : i32 to index
            %swap3A_124 = tpu.vector_load %arg10[%swap3A_123] {strides = array<i32>} : memref<4112xf32, #tpu.memory_space<vmem>>, vector<16xf32>,
            tpu.vector_store %arg10[%swap3A_123], %broadcast_in_dim3A_0 {strides = array<i32>} : memref<4112xf32, #tpu.memory_space<vmem>>, vector<16xf32>,
          }
          %scan3A_112 = arith.constant 257 : i32
        } else {
        }
        %ge3A_103 = arith.constant 2048 : i32
        %ge3A_104 = arith.cmpi sge, %scan3A_96, %ge3A_103 : i32
        %jit3A_105 = arith.constant 0 : i32
        %select_n3A_106 = arith.select %ge3A_104, %jit3A_105, %scan3A_96 : i32
        scf.yield %select_n3A_106 : i32
      }
      %scan3A_39 = arith.constant 192 : i32
      "tpu.region"() ({
        %run_scoped3A = tpu.sem_alloc : memref<!tpu.dma_semaphore, #tpu.memory_space<semaphore_mem>>
        %dma_start3A_52 = arith.constant 0 : i32
        %dma_start3A_53 = tpu.memref_slice %arg12[%dma_start3A_52] : memref<1572864xf32, #tpu.memory_space<vmem_shared>> -> memref<1572864xf32, #tpu.memory_space<vmem_shared>>
        tpu.enqueue_indirect_dma source(%arg10 : memref<4112xf32, #tpu.memory_space<vmem>>) target(%dma_start3A_53 : memref<1572864xf32, #tpu.memory_space<vmem_shared>>) offsets(%arg9 : memref<4112xi32, #tpu.memory_space<vmem>>) semaphore(%run_scoped3A : memref<!tpu.dma_semaphore, #tpu.memory_space<semaphore_mem>>) {add = true}
        %dma_wait3A = arith.constant 0 : i32
        %dma_wait3A_54 = tpu.memref_slice %arg12[%dma_wait3A] : memref<1572864xf32, #tpu.memory_space<vmem_shared>> -> memref<1572864xf32, #tpu.memory_space<vmem_shared>>
        tpu.wait_indirect_dma semaphore(%run_scoped3A : memref<!tpu.dma_semaphore, #tpu.memory_space<semaphore_mem>>) src(%arg10 : memref<4112xf32, #tpu.memory_space<vmem>>) dst(%dma_wait3A_54 : memref<1572864xf32, #tpu.memory_space<vmem_shared>>)
        tpu.yield
      }) : () -> ()
      %scan3A_40 = arith.constant 0 : i32
      %scan3A_41 = arith.constant 0 : i32
      %scan3A_42 = arith.constant 257 : i32
      %scan3A_43 = arith.addi %scan3A_41, %scan3A_42 : i32
      %scan3A_44 = arith.constant 1 : i32
      scf.for %scan3A_52 = %scan3A_41 to %scan3A_43 step %scan3A_44  : i32 {
        %mul3A_53 = arith.constant 16 : i32
        %mul3A_54 = arith.muli %scan3A_52, %mul3A_53 : i32
        %add3A_55 = vector.broadcast %mul3A_54 : i32 to vector<16xi32>
        %add3A_56 = arith.addi %add3A_55, %iota3A : vector<16xi32>
        %mul3A_57 = arith.constant 16 : i32
        %mul3A_58 = arith.muli %scan3A_52, %mul3A_57 : i32
        %swap3A = arith.index_cast %mul3A_58 : i32 to index
        %swap3A_59 = tpu.vector_load %arg9[%swap3A] {strides = array<i32>} : memref<4112xi32, #tpu.memory_space<vmem>>, vector<16xi32>,
        tpu.vector_store %arg9[%swap3A], %add3A_56 {strides = array<i32>} : memref<4112xi32, #tpu.memory_space<vmem>>, vector<16xi32>,
        %mul3A_60 = arith.constant 16 : i32
        %mul3A_61 = arith.muli %scan3A_52, %mul3A_60 : i32
        %swap3A_62 = arith.index_cast %mul3A_61 : i32 to index
        %swap3A_63 = tpu.vector_load %arg10[%swap3A_62] {strides = array<i32>} : memref<4112xf32, #tpu.memory_space<vmem>>, vector<16xf32>,
        tpu.vector_store %arg10[%swap3A_62], %broadcast_in_dim3A_0 {strides = array<i32>} : memref<4112xf32, #tpu.memory_space<vmem>>, vector<16xf32>,
      }
      %scan3A_45 = arith.constant 257 : i32
      %barrier3A_46 = arith.constant 0 : index
      tpu.barrier barrier_id(%barrier3A_46)
      %mul3A_47 = arith.constant 98304 : i32
      %mul3A_48 = arith.muli %arg1, %mul3A_47 : i32
      %mul3A_49 = arith.constant 98304 : i32
      %mul3A_50 = arith.muli %arg1, %mul3A_49 : i32
      %add3A_51 = arith.addi %mul3A_23, %mul3A_50 : i32
      "tpu.region"() ({
        %run_scoped3A = tpu.sem_alloc : memref<!tpu.dma_semaphore, #tpu.memory_space<semaphore_mem>>
        %dma_start3A_52 = tpu.memref_slice %arg4[%add3A_51] : memref<50331648xf32, #tpu.memory_space<hbm>> -> memref<98304xf32, #tpu.memory_space<hbm>>
        %dma_start3A_53 = tpu.memref_slice %arg12[%mul3A_48] : memref<1572864xf32, #tpu.memory_space<vmem_shared>> -> memref<98304xf32, #tpu.memory_space<vmem_shared>>
        tpu.enqueue_dma source(%dma_start3A_53 : memref<98304xf32, #tpu.memory_space<vmem_shared>>) target(%dma_start3A_52 : memref<98304xf32, #tpu.memory_space<hbm>>) target_semaphore(%run_scoped3A : memref<!tpu.dma_semaphore, #tpu.memory_space<semaphore_mem>>)
        %dma_wait3A = tpu.memref_slice %arg4[%add3A_51] : memref<50331648xf32, #tpu.memory_space<hbm>> -> memref<98304xf32, #tpu.memory_space<hbm>>
        %dma_wait3A_54 = tpu.memref_slice %arg12[%mul3A_48] : memref<1572864xf32, #tpu.memory_space<vmem_shared>> -> memref<98304xf32, #tpu.memory_space<vmem_shared>>
        tpu.wait_dma2 semaphore(%run_scoped3A : memref<!tpu.dma_semaphore, #tpu.memory_space<semaphore_mem>>) src(%dma_wait3A_54 : memref<98304xf32, #tpu.memory_space<vmem_shared>>) dst(%dma_wait3A : memref<98304xf32, #tpu.memory_space<hbm>>)
        tpu.yield
      }) : () -> ()
    }
    %scan3A_18 = arith.constant 16 : i32
    return
  }
}

</mosaic_0001>

<sc_bundles>
// kernel: _unpool.3.cloned.1.call-start
scs
__scs_entry_jumppad:
0x0: {  	(pc) =	sbr.rel $0x88, $3  }
0x1: {  	(tag) =	ssettag $0x0;
	lr =	simm.s32 $0x1  }
0x2: {  	[smem:$0x3F9F] =	sst lr;
	_ =	strace $0xD0000000  }
0x3: {  	_ = 	snop  }
0x4: {  	_ = 	snop  }
0x5: {  	_ = 	snop  }
0x6: {  	_ = 	snop  }
0x7: {  	_ = 	snop  }
__scs_overlays_trampoline_lowered:
0x8: {  	[smem:$0x3FAE] =	sst s0  }
0x9: {  	[smem:$0x3FAF] =	sst s1  }
0xa: {  	[smem:$0x3FB0] =	sst s2  }
0xb: {  	[smem:$0x3FB1] =	sst s3  }
0xc: {  	[smem:$0x3FB2] =	sst s4  }
0xd: {  	[smem:$0x3FB3] =	sst s5  }
0xe: {  	[smem:$0x3FB4] =	sst s6  }
0xf: {  	[smem:$0x3FB5] =	sst s7  }
0x10: {  	[smem:$0x3FB6] =	sst s8  }
0x11: {  	[smem:$0x3FB7] =	sst s9;
	s0 =	simm.s32 @!p0 $0x0  }
0x12: {  	s1 =	sld [smem:$0x3F9D];
	s0 =	simm.s32 @p0 $0x1  }
0x13: {  	[smem:$0x3FB8] =	sst s0;
	s0 =	simm.s32 @!p1 $0x0  }
0x14: {  	s2 =	sld [smem:$0x3F9C];
	s0 =	simm.s32 @p1 $0x1  }
0x15: {  	[smem:$0x3FB9] =	sst s0;
	s0 =	simm.s32 @!p2 $0x0  }
0x16: {  	s3 =	sld [smem:$0x3FDB];
	s0 =	simm.s32 @p2 $0x1  }
0x17: {  	s4 =	simm.s32 $0x1BF5;
	[smem:$0x3FBB] =	sst s0  }
0x18: {  	s0 =	sld [smem:$0x3F9E];
	_ =	swait.ge [sflag:s4], $0x0  }
0x19: {  	s7 =	sld [smem:$0x3F9F]  }
0x1a: {  	s8 =	sadd.s32 $0xFFFFE003, lr  }
0x1b: {  	s9 =	sadd.s32 $0xFFFFFEF7, lr;
	s5 =	simm.s32 $0xFFFFFFFF;
	p2 =	slt.u32 s8, $0xFFFFF086  }
0x1c: {  	p1 =	slt.u32 s9, $0xF7A;
	s5 =	simm.s32 @!p2 $0x0  }
0x1d: {  	s5 =	simm.s32 @p1 $0x1;
	p0 =	seq.s32 s7, s2  }
0x1e: {  	s7 =	smul.u32 @!p0 $0xF7A, s2;
	p2 =	seq.s32 @!p0 s5, $0x0  }
0x1f: {  	s9 =	smul.u32 $0xF7A, s1;
	s8 =	simm.s32 @!p0 $0x1BF5;
	p2 =	por !p2, p0  }
0x20: {  	[sflag:s8] =	ssyncset.s32 @!p0 $0xFFFFF086;
	s6 =	sadd.s32 @!p0 s3, s7;
	s7 =	simm.s32 @!p0 $0x108  }
0x21: {  	s3 =	sadd.s32 s3, s9;
	s6 =	sadd.s32 @!p0 $0x88, s6;
	s7 =	simm.s32 @p2 $0x1082  }
0x22: {  	[simem:s7], [sflag:s8] =	dma.local @!p0 [hbm:s6], $0xF7A  }
0x23: {  	s9 =	sor.u32 $0xD0000000, s2;
	s6 =	simm.s32 $0x108;
	_ =	swait.ge @!p0 [sflag:s8], $0x0  }
0x24: {  	s3 =	sadd.s32 $0x88, s3;
	s6 =	simm.s32 @!p1 $0x1082;
	[sflag:s4] =	ssyncset.s32 $0xFFFFF086  }
0x25: {  	[simem:s6], [sflag:s4] =	dma.local [hbm:s3], $0xF7A  }
0x26: {  	[smem:$0x3F9F] =	sst s1;
	(tag) =	ssettag s2;
	_ =	strace s9  }
0x27: {  	s1 =	sld [smem:$0x3FAF]  }
0x28: {  	s2 =	sld [smem:$0x3FB0]  }
0x29: {  	s4 =	sld [smem:$0x3FB2]  }
0x2a: {  	p0 =	seq.s32 s5, $0x0;
	s5 =	sld [smem:$0x3FB3]  }
0x2b: {  	s6 =	sld [smem:$0x3FB4]  }
0x2c: {  	s7 =	sld [smem:$0x3FB5]  }
0x2d: {  	s3 =	simm.s32 $0x108;
	s8 =	sld [smem:$0x3FB6]  }
0x2e: {  	s3 =	simm.s32 @!p0 $0x1082;
	s9 =	sld [smem:$0x3FB7]  }
0x2f: {  	lr =	sadd.s32 s0, s3;
	s0 =	sld [smem:$0x3FAE]  }
0x30: {  	s3 =	sld [smem:$0x3FB1]  }
0x31: {  	[smem:$0x3FBA] =	sst s10  }
0x32: {  	s10 =	sld [smem:$0x3FB8];
	_ =	sdelay $0x3  }
0x33: {  	p0 =	seq.s32 s10, $0x1;
	s10 =	sld [smem:$0x3FBA];
	_ =	sdelay $0x3  }
0x34: {  	[smem:$0x3FBA] =	sst s10  }
0x35: {  	s10 =	sld [smem:$0x3FB9];
	_ =	sdelay $0x3  }
0x36: {  	p1 =	seq.s32 s10, $0x1;
	s10 =	sld [smem:$0x3FBA];
	_ =	sdelay $0x3  }
0x37: {  	[smem:$0x3FBA] =	sst s10  }
0x38: {  	s10 =	sld [smem:$0x3FBB]  }
0x39: {  	_ = 	snop;
	(pc) =	sbr.ind lr, $3  }
0x3a: {  	_ = 	snop  }
0x3b: {  	_ = 	snop  }
0x3c: {  	p2 =	seq.s32 s10, $0x1;
	s10 =	sld [smem:$0x3FBA]  }
0x3d: {  	_ =	shalt  }
0x3e: {  	_ =	shalt  }
0x3f: {  	_ =	shalt  }
0x40: {  	_ =	shalt  }
0x41: {  	_ =	shalt  }
0x42: {  	_ =	shalt  }
0x43: {  	_ =	shalt  }
0x44: {  	_ =	shalt  }
0x45: {  	_ =	shalt  }
0x46: {  	_ =	shalt  }
0x47: {  	_ =	shalt  }
0x48: {  	_ =	shalt  }
0x49: {  	_ =	shalt  }
0x4a: {  	_ =	shalt  }
0x4b: {  	_ =	shalt  }
0x4c: {  	_ =	shalt  }
0x4d: {  	_ =	shalt  }
0x4e: {  	_ =	shalt  }
0x4f: {  	_ =	shalt  }
0x50: {  	_ =	shalt  }
0x51: {  	_ =	shalt  }
0x52: {  	_ =	shalt  }
0x53: {  	_ =	shalt  }
0x54: {  	_ =	shalt  }
0x55: {  	_ =	shalt  }
0x56: {  	_ =	shalt  }
0x57: {  	_ =	shalt  }
0x58: {  	_ =	shalt  }
0x59: {  	_ =	shalt  }
0x5a: {  	_ =	shalt  }
0x5b: {  	_ =	shalt  }
0x5c: {  	_ =	shalt  }
0x5d: {  	_ =	shalt  }
0x5e: {  	_ =	shalt  }
0x5f: {  	_ =	shalt  }
0x60: {  	_ =	shalt  }
0x61: {  	_ =	shalt  }
0x62: {  	_ =	shalt  }
0x63: {  	_ =	shalt  }
0x64: {  	_ =	shalt  }
0x65: {  	_ =	shalt  }
0x66: {  	_ =	shalt  }
0x67: {  	_ =	shalt  }
0x68: {  	_ =	shalt  }
0x69: {  	_ =	shalt  }
0x6a: {  	_ =	shalt  }
0x6b: {  	_ =	shalt  }
0x6c: {  	_ =	shalt  }
0x6d: {  	_ =	shalt  }
0x6e: {  	_ =	shalt  }
0x6f: {  	_ =	shalt  }
0x70: {  	_ =	shalt  }
0x71: {  	_ =	shalt  }
0x72: {  	_ =	shalt  }
0x73: {  	_ =	shalt  }
0x74: {  	_ =	shalt  }
0x75: {  	_ =	shalt  }
0x76: {  	_ =	shalt  }
0x77: {  	_ =	shalt  }
0x78: {  	_ =	shalt  }
0x79: {  	_ =	shalt  }
0x7a: {  	_ =	shalt  }
0x7b: {  	_ =	shalt  }
0x7c: {  	_ =	shalt  }
0x7d: {  	_ =	shalt  }
0x7e: {  	_ =	shalt  }
0x7f: {  	_ =	shalt  }
0x80: {  	_ =	shalt  }
0x81: {  	_ =	shalt  }
0x82: {  	_ =	shalt  }
0x83: {  	_ =	shalt  }
0x84: {  	_ =	shalt  }
0x85: {  	_ =	shalt  }
0x86: {  	_ =	shalt  }
0x87: {  	_ =	shalt  }
.Lfunc_end0:
.L_simem_size_0:
called_computation_lowered:
.L_overlay_start_0:
0x88: {  	s2 =	sld [smem:$0x3FD9]  }
0x89: {  	s3 =	sld [smem:$0x3FFE];
	_ =	sdelay $0x1  }
0x8a: {  	s1 =	srdreg.scid  }
0x8b: {  	s0 =	sand.u32 $0x1, s1  }
0x8c: {  	s18 =	sshll.u32 s0, $0xA;
	s2 =	sadd.s32 s3, s2  }
0x8d: {  	s2 =	sadd.s32 s2, s18  }
0x8e: {  	[smem:$0x3FC6] =	sst s2  }
0x8f: {  	_ = 	snop  }
0x90: {  	s2 =	sld [smem:$0x3FC9]  }
0x91: {  	s19 =	sld [smem:$0x3FC8]  }
0x92: {  	s4 =	sld [smem:$0x3FD0];
	(tm) =	ssettm $0x1  }
0x93: {  	s5 =	sld [smem:$0x3FFB];
	_ =	sdelay $0x3  }
0x94: {  	_ =	strace s5  }
0x95: {  	s5 =	sld [smem:$0x3FFC];
	_ =	sdelay $0x3  }
0x96: {  	_ =	strace s5  }
0x97: {  	s5 =	sld [smem:$0x3FFD];
	_ =	sdelay $0x3  }
0x98: {  	_ =	strace s5  }
0x99: {  	_ =	strace $0x8FFFFFFF  }
0x9a: {  	s20 =	sld [smem:$0x3FDB];
	_ =	sdelay $0x1  }
0x9b: {  	s6 =	simm.s32 $_scs_section_size  }
0x9c: {  	s7 =	simm.s32 $_size__tile_overlayer_lowered;
	s8 =	simm.s32 $_tile_overlayer_lowered  }
0x9d: {  	s23 =	simm.s32 $0x1BFF;
	s22 =	sshll.u32 s8, $0x1;
	s5 =	sadd.s32 s6, s20  }
0x9e: {  	s9 =	simm.s32 $0x0;
	s21 =	sshll.u32 s7, $0x1;
	s7 =	sadd.s32 s22, s5  }
0x9f: {  	[timem:s9], [sflag:s23] =	dma.local [hbm:s7], s21  }
0xa0: {  	_ =	swait.ge [sflag:s23], s21  }
0xa1: {  	s6 =	ssub.s32 $0x0, s21;
	[sflag:s23] =	ssyncset.done $0x0  }
0xa2: {  	[sflag:s23] =	ssyncadd.s32 s6;
	_ =	sdelay $0x1  }
0xa3: {  	s24 =	simm.s32 $0x1B8B  }
0xa4: {  	_ =	swait.ge [sflag:s24], $0x1  }
0xa5: {  	[sflag:s24] =	ssyncset.done $0x0  }
0xa6: {  	s25 =	simm.s32 $0x1B8E;
	[sflag:s24] =	ssyncadd.s32 $0xFFFFFFFF  }
0xa7: {  	s26 =	simm.s32 $execute0_lowered;
	[smem:$0x3FD2] =	sst s25  }
0xa8: {  	s6 =	sshll.u32 s26, $0x1;
	_ =	strace $0x80000046;
	[dreg:$0x1] =	wrdreg $0xFFFFFFFF  }
0xa9: {  	s28 =	simm.s32 $_size_execute0_lowered;
	s5 =	sadd.s32 s5, s6;
	[dreg:$0x0] =	wrdreg $0x0  }
0xaa: {  	s6 =	sshll.u32 s28, $0x1;
	[dreg:$0x2] =	wrdreg s5  }
0xab: {  	[dreg:$0x3] =	wrdreg s6  }
0xac: {  	[dreg:$0x4] =	wrdreg $0xC0  }
0xad: {  	_ =	task [dreg:s9], $0x5FFFF  }
0xae: {  	[dreg:$0x1] =	wrdreg $0xFFFFFFFF  }
0xaf: {  	[dreg:$0x0] =	wrdreg $0x60  }
0xb0: {  	[dreg:$0x2] =	wrdreg s2  }
0xb1: {  	[dreg:$0x3] =	wrdreg s19  }
0xb2: {  	[dreg:$0x4] =	wrdreg s4  }
0xb3: {  	[dreg:$0x5] =	wrdreg $0x51000  }
0xb4: {  	[dreg:$0x6] =	wrdreg $0x9  }
0xb5: {  	_ =	task.clear_ibuf [dreg:s9], $0x7FFFF;
	_ =	strace $0x90000046  }
0xb6: {  	s29 =	simm.s32 $0x9;
	_ =	strace $0x80000048  }
0xb7: {  	_ =	swait.ge [sflag:s29], $0x1  }
0xb8: {  	[sflag:s29] =	ssyncadd.s32 $0xFFFFFFFF  }
0xb9: {  	_ =	strace $0x90000048  }
0xba: {  	_ =	sfence  }
0xbb: {  	s30 =	sld [smem:$0x0];
	_ =	sdelay $0x2  }
0xbc: {  	s31 =	sshll.u32 s1, $0xD;
	s1 =	sshrl.u32 s1, $0x2  }
0xbd: {  	s3 =	sand.u32 $0x4000, s31;
	s1 =	sadd.s32 s1, s30  }
0xbe: {  	s0 =	sor.u32 s3, s0;
	s1 =	sshll.u32 s1, $0x11  }
0xbf: {  	s0 =	sor.u32 s1, s0  }
0xc0: {  	s0 =	sadd.s32 $0x8F2B, s0  }
0xc1: {  	[sflag:s0] =	ssyncadd.remote.s32 $0x1  }
0xc2: {  	_ =	sfence.sel $0xFFFF  }
0xc3: {  	[dreg:$0x0] =	wrdreg $0xFFFFFFFF;
	(pc) =	sbr.abs _section_cstart, $3  }
0xc4: {  	[dreg:$0x1] =	wrdreg $0xFFFFFFFF  }
0xc5: {  	_ =	task.clear_ibuf [dreg:s9], $0x2FFFF;
	_ =	strace $0x9FFFFFFF  }
0xc6: {  	(tm) =	ssettm $0x7FFFFFFF  }
0xc7: {  	_ =	shalt  }
tec
execute0_lowered:
.L_overlay_start_1:
0x0: {  	(tag) =	ssettag $0x1  }
0x1: {  	s1 =	rddreg [dreg:$0x0]  }
0x2: {  	s2 =	rddreg [dreg:$0x1]  }
0x3: {  	s5 =	rddreg [dreg:$0x3];
	s7 =	stileid.u32  }
0x4: {  	s0 =	srdreg.scid;
	s8 =	simm.s32 $0x0;
	s29 =	smul.u32 $0xC0000, s7  }
0x5: {  	s3 =	sand.u32 $0x1, s0;
	[smem:$0x7FF] =	sst s8;
	s4 =	smul.u32 $0x60000, s7  }
0x6: {  	s9 =	smul.u32 $0x18000, s7;
	[dreg:$0x6] =	wrdreg s3;
	s3 =	ssub.s32 $0x2, s3  }
0x7: {  	_ =	strace $0x80000047;
	s6 =	sshrl.u32 s3, $0x1;
	s30 =	sshrl.u32 s29, $0x3  }
0x8: {  	[dreg:$0x8] =	wrdreg s9;
	s11 =	sadd.s32 s9, s5;
	s31 =	sadd.s32 s2, s30  }
0x9: {  	s3 =	ssub.s32 s3, s6;
	s6 =	sadd.s32 s1, s30;
	[dreg:$0x7] =	wrdreg s31  }
0xa: {  	s4 =	sshrl.u32 s4, $0x2;
	s0 =	sshrl.u32 s11, $0x3;
	[dreg:$0x9] =	wrdreg s6  }
0xb: {  	s10 =	sadd.s32 s4, s5;
	s3 =	smax.u32 s3, $0x1;
	[dreg:$0x15] =	wrdreg s0  }
0xc: {  	s14 =	sadd.s32 $0x1000, s10;
	[dreg:$0xa] =	wrdreg s3  }
0xd: {  	s15 =	sadd.s32 $0x2000, s10;
	[dreg:$0xb] =	wrdreg s14  }
0xe: {  	s16 =	sadd.s32 $0x3000, s10;
	[dreg:$0xc] =	wrdreg s15  }
0xf: {  	s17 =	sadd.s32 $0x4000, s10;
	[dreg:$0xd] =	wrdreg s16  }
0x10: {  	s18 =	sadd.s32 $0x5000, s10;
	[dreg:$0xe] =	wrdreg s17  }
0x11: {  	s19 =	sadd.s32 $0x6000, s10;
	[dreg:$0xf] =	wrdreg s18  }
0x12: {  	s20 =	sadd.s32 $0x7000, s10;
	[dreg:$0x10] =	wrdreg s19  }
0x13: {  	s21 =	sadd.s32 $0x8000, s10;
	[dreg:$0x11] =	wrdreg s20  }
0x14: {  	s22 =	sadd.s32 $0x9000, s10;
	[dreg:$0x12] =	wrdreg s21  }
0x15: {  	s23 =	sadd.s32 $0xA000, s10;
	[dreg:$0x13] =	wrdreg s22  }
0x16: {  	s12 =	sor.u32 $0x800, s29;
	s24 =	sadd.s32 $0xB000, s10;
	[dreg:$0x14] =	wrdreg s23  }
0x17: {  	s13 =	sor.u32 $0x1000, s29;
	s25 =	sadd.s32 $0xC000, s10;
	[dreg:$0x16] =	wrdreg s24  }
0x18: {  	s11 =	simm.s32 $0x4100;
	s26 =	sadd.s32 $0xD000, s10;
	[dreg:$0x17] =	wrdreg s25  }
0x19: {  	s28 =	sadd.s32 $0xE000, s10;
	s29 =	sadd.s32 $0xF000, s10;
	[dreg:$0x18] =	wrdreg s26  }
0x1a: {  	s30 =	sadd.s32 $0x10000, s10;
	s31 =	sadd.s32 $0x11000, s10;
	[dreg:$0x19] =	wrdreg s28  }
0x1b: {  	s6 =	sadd.s32 $0x12000, s10;
	s4 =	sadd.s32 $0x13000, s10;
	[dreg:$0x1a] =	wrdreg s29  }
0x1c: {  	s7 =	sadd.s32 $0x15000, s10;
	s9 =	sadd.s32 $0x16000, s10;
	[dreg:$0x1b] =	wrdreg s30  }
0x1d: {  	[dreg:$0x1c] =	wrdreg s31;
	s3 =	sadd.s32 $0x14000, s10;
	s14 =	smov.u32 s10  }
0x1e: {  	s10 =	sadd.s32 $0x17000, s10;
	s15 =	simm.s32 $0x5;
	s16 =	simm.s32 $0x1  }
0x1f: {  	s17 =	simm.s32 $0x3;
	s18 =	simm.s32 $0x800;
	s19 =	simm.s32 $0x1800  }
0x20: {  	v0 =	vimm.f32 $0.0e+00;
	v1 =	vlaneseq.u32;
	s20 =	simm.s32 $0x1010;
	s21 =	simm.s32 $0x2;
	s22 =	simm.s32 $0x4  }
.LBB2_1:
0x21: {  	[dreg:$0x5] =	wrdreg s8;
	s8 =	simm.s32 $0x0  }
.LBB2_2:
0x22: {  	p0 =	sne.s32 s8, $0x3FC0  }
.Ltmp0:
0x23: {  	_ = 	snop;
	(pc) =	sbr.rel @p0 .LBB2_2-.Ltmp0, $3  }
0x24: {  	_ =	sdelay $0x1  }
0x25: {  	s23 =	sshra.s32 s8, $0x2  }
0x26: {  	s8 =	sadd.s32 $0x40, s8;
	[tilespmem:s23+$0x4100] =	vst v0  }
0x27: {  	s8 =	simm.s32 $0x0  }
0x28: {  	s23 =	simm.s32 $0x2000;
	v2 =	vor.u32 s8, v1  }
0x29: {  	s24 =	simm.s32 $0x3080;
	[tilespmem:s23+$0x0] =	vst v2  }
0x2a: {  	s25 =	simm.s32 $0x10;
	[tilespmem:s24+$0x0] =	vst v0  }
.LBB2_4:
0x2b: {  	p0 =	sne.s32 s25, $0x1000  }
.Ltmp1:
0x2c: {  	_ = 	snop;
	(pc) =	sbr.rel @p0 .LBB2_4-.Ltmp1, $4  }
0x2d: {  	_ = 	snop  }
0x2e: {  	v2 =	vor.u32 s25, v1;
	s23 =	sadd.s32 $0x10, s23  }
0x2f: {  	s25 =	sadd.s32 $0x10, s25;
	s24 =	sadd.s32 $0x10, s24;
	[tilespmem:s23+$0x0] =	vst v2  }
0x30: {  	[tilespmem:s24+$0x0] =	vst v0  }
.LBB2_5:
0x31: {  	[spmem:s14] =	stream.linear.scatter [tilespmem:s11], [sflag:$0x5], $0x1000, $0x38;
	[tilespmem:$0x1D100] =	vst v63  }
0x32: {  	_ =	swait.ge [sflag:s15], $0x1000  }
0x33: {  	[sflag:s15] =	ssyncset.done $0x0  }
0x34: {  	s0 =	rddreg [dreg:$0xb];
	[sflag:s15] =	ssyncadd.s32 $0xFFFFF000  }
0x35: {  	[spmem:s0] =	stream.linear.scatter [tilespmem:s11], [sflag:$0x5], $0x1000, $0x38;
	[tilespmem:$0x1D100] =	vst v63  }
0x36: {  	_ =	swait.ge [sflag:s15], $0x1000  }
0x37: {  	[sflag:s15] =	ssyncset.done $0x0  }
0x38: {  	s25 =	rddreg [dreg:$0xc];
	[sflag:s15] =	ssyncadd.s32 $0xFFFFF000  }
0x39: {  	[spmem:s25] =	stream.linear.scatter [tilespmem:s11], [sflag:$0x5], $0x1000, $0x38;
	[tilespmem:$0x1D100] =	vst v63  }
0x3a: {  	_ =	swait.ge [sflag:s15], $0x1000  }
0x3b: {  	[sflag:s15] =	ssyncset.done $0x0  }
0x3c: {  	s26 =	rddreg [dreg:$0xd];
	[sflag:s15] =	ssyncadd.s32 $0xFFFFF000  }
0x3d: {  	[spmem:s26] =	stream.linear.scatter [tilespmem:s11], [sflag:$0x5], $0x1000, $0x38;
	[tilespmem:$0x1D100] =	vst v63  }
0x3e: {  	_ =	swait.ge [sflag:s15], $0x1000  }
0x3f: {  	[sflag:s15] =	ssyncset.done $0x0  }
0x40: {  	s29 =	rddreg [dreg:$0xe];
	[sflag:s15] =	ssyncadd.s32 $0xFFFFF000  }
0x41: {  	[spmem:s29] =	stream.linear.scatter [tilespmem:s11], [sflag:$0x5], $0x1000, $0x38;
	[tilespmem:$0x1D100] =	vst v63  }
0x42: {  	_ =	swait.ge [sflag:s15], $0x1000  }
0x43: {  	[sflag:s15] =	ssyncset.done $0x0  }
0x44: {  	s30 =	rddreg [dreg:$0xf];
	[sflag:s15] =	ssyncadd.s32 $0xFFFFF000  }
0x45: {  	[spmem:s30] =	stream.linear.scatter [tilespmem:s11], [sflag:$0x5], $0x1000, $0x38;
	[tilespmem:$0x1D100] =	vst v63  }
0x46: {  	_ =	swait.ge [sflag:s15], $0x1000  }
0x47: {  	[sflag:s15] =	ssyncset.done $0x0  }
0x48: {  	s31 =	rddreg [dreg:$0x10];
	[sflag:s15] =	ssyncadd.s32 $0xFFFFF000  }
0x49: {  	[spmem:s31] =	stream.linear.scatter [tilespmem:s11], [sflag:$0x5], $0x1000, $0x38;
	[tilespmem:$0x1D100] =	vst v63  }
0x4a: {  	_ =	swait.ge [sflag:s15], $0x1000  }
0x4b: {  	[sflag:s15] =	ssyncset.done $0x0  }
0x4c: {  	s23 =	rddreg [dreg:$0x11];
	[sflag:s15] =	ssyncadd.s32 $0xFFFFF000  }
0x4d: {  	[spmem:s23] =	stream.linear.scatter [tilespmem:s11], [sflag:$0x5], $0x1000, $0x38;
	[tilespmem:$0x1D100] =	vst v63  }
0x4e: {  	_ =	swait.ge [sflag:s15], $0x1000  }
0x4f: {  	[sflag:s15] =	ssyncset.done $0x0  }
0x50: {  	s24 =	rddreg [dreg:$0x12];
	[sflag:s15] =	ssyncadd.s32 $0xFFFFF000  }
0x51: {  	[spmem:s24] =	stream.linear.scatter [tilespmem:s11], [sflag:$0x5], $0x1000, $0x38;
	[tilespmem:$0x1D100] =	vst v63  }
0x52: {  	_ =	swait.ge [sflag:s15], $0x1000  }
0x53: {  	[sflag:s15] =	ssyncset.done $0x0  }
0x54: {  	s25 =	rddreg [dreg:$0x13];
	[sflag:s15] =	ssyncadd.s32 $0xFFFFF000  }
0x55: {  	[spmem:s25] =	stream.linear.scatter [tilespmem:s11], [sflag:$0x5], $0x1000, $0x38;
	[tilespmem:$0x1D100] =	vst v63  }
0x56: {  	_ =	swait.ge [sflag:s15], $0x1000  }
0x57: {  	[sflag:s15] =	ssyncset.done $0x0  }
0x58: {  	s26 =	rddreg [dreg:$0x14];
	[sflag:s15] =	ssyncadd.s32 $0xFFFFF000  }
0x59: {  	[spmem:s26] =	stream.linear.scatter [tilespmem:s11], [sflag:$0x5], $0x1000, $0x38;
	[tilespmem:$0x1D100] =	vst v63  }
0x5a: {  	_ =	swait.ge [sflag:s15], $0x1000  }
0x5b: {  	[sflag:s15] =	ssyncset.done $0x0  }
0x5c: {  	s29 =	rddreg [dreg:$0x16];
	[sflag:s15] =	ssyncadd.s32 $0xFFFFF000  }
0x5d: {  	[spmem:s29] =	stream.linear.scatter [tilespmem:s11], [sflag:$0x5], $0x1000, $0x38;
	[tilespmem:$0x1D100] =	vst v63  }
0x5e: {  	_ =	swait.ge [sflag:s15], $0x1000  }
0x5f: {  	[sflag:s15] =	ssyncset.done $0x0  }
0x60: {  	s30 =	rddreg [dreg:$0x17];
	[sflag:s15] =	ssyncadd.s32 $0xFFFFF000  }
0x61: {  	[spmem:s30] =	stream.linear.scatter [tilespmem:s11], [sflag:$0x5], $0x1000, $0x38;
	[tilespmem:$0x1D100] =	vst v63  }
0x62: {  	_ =	swait.ge [sflag:s15], $0x1000  }
0x63: {  	[sflag:s15] =	ssyncset.done $0x0  }
0x64: {  	s31 =	rddreg [dreg:$0x18];
	[sflag:s15] =	ssyncadd.s32 $0xFFFFF000  }
0x65: {  	[spmem:s31] =	stream.linear.scatter [tilespmem:s11], [sflag:$0x5], $0x1000, $0x38;
	[tilespmem:$0x1D100] =	vst v63  }
0x66: {  	_ =	swait.ge [sflag:s15], $0x1000  }
0x67: {  	[sflag:s15] =	ssyncset.done $0x0  }
0x68: {  	s23 =	rddreg [dreg:$0x19];
	[sflag:s15] =	ssyncadd.s32 $0xFFFFF000  }
0x69: {  	[spmem:s23] =	stream.linear.scatter [tilespmem:s11], [sflag:$0x5], $0x1000, $0x38;
	[tilespmem:$0x1D100] =	vst v63  }
0x6a: {  	_ =	swait.ge [sflag:s15], $0x1000  }
0x6b: {  	[sflag:s15] =	ssyncset.done $0x0  }
0x6c: {  	s24 =	rddreg [dreg:$0x1a];
	[sflag:s15] =	ssyncadd.s32 $0xFFFFF000  }
0x6d: {  	[spmem:s24] =	stream.linear.scatter [tilespmem:s11], [sflag:$0x5], $0x1000, $0x38;
	[tilespmem:$0x1D100] =	vst v63  }
0x6e: {  	_ =	swait.ge [sflag:s15], $0x1000  }
0x6f: {  	[sflag:s15] =	ssyncset.done $0x0  }
0x70: {  	s25 =	rddreg [dreg:$0x1b];
	[sflag:s15] =	ssyncadd.s32 $0xFFFFF000  }
0x71: {  	[spmem:s25] =	stream.linear.scatter [tilespmem:s11], [sflag:$0x5], $0x1000, $0x38;
	[tilespmem:$0x1D100] =	vst v63  }
0x72: {  	_ =	swait.ge [sflag:s15], $0x1000  }
0x73: {  	[sflag:s15] =	ssyncset.done $0x0  }
0x74: {  	s26 =	rddreg [dreg:$0x1c];
	[sflag:s15] =	ssyncadd.s32 $0xFFFFF000  }
0x75: {  	[spmem:s26] =	stream.linear.scatter [tilespmem:s11], [sflag:$0x5], $0x1000, $0x38;
	[tilespmem:$0x1D100] =	vst v63  }
0x76: {  	_ =	swait.ge [sflag:s15], $0x1000  }
0x77: {  	[sflag:s15] =	ssyncset.done $0x0  }
0x78: {  	[sflag:s15] =	ssyncadd.s32 $0xFFFFF000  }
0x79: {  	[spmem:s6] =	stream.linear.scatter [tilespmem:s11], [sflag:$0x5], $0x1000, $0x38;
	[tilespmem:$0x1D100] =	vst v63  }
0x7a: {  	_ =	swait.ge [sflag:s15], $0x1000  }
0x7b: {  	[sflag:s15] =	ssyncset.done $0x0  }
0x7c: {  	[sflag:s15] =	ssyncadd.s32 $0xFFFFF000  }
0x7d: {  	[spmem:s4] =	stream.linear.scatter [tilespmem:s11], [sflag:$0x5], $0x1000, $0x38;
	[tilespmem:$0x1D100] =	vst v63  }
0x7e: {  	_ =	swait.ge [sflag:s15], $0x1000  }
0x7f: {  	[sflag:s15] =	ssyncset.done $0x0  }
0x80: {  	[sflag:s15] =	ssyncadd.s32 $0xFFFFF000  }
0x81: {  	[spmem:s3] =	stream.linear.scatter [tilespmem:s11], [sflag:$0x5], $0x1000, $0x38;
	[tilespmem:$0x1D100] =	vst v63  }
0x82: {  	_ =	swait.ge [sflag:s15], $0x1000  }
0x83: {  	[sflag:s15] =	ssyncset.done $0x0  }
0x84: {  	[sflag:s15] =	ssyncadd.s32 $0xFFFFF000  }
0x85: {  	[spmem:s7] =	stream.linear.scatter [tilespmem:s11], [sflag:$0x5], $0x1000, $0x38;
	[tilespmem:$0x1D100] =	vst v63  }
0x86: {  	_ =	swait.ge [sflag:s15], $0x1000  }
0x87: {  	[sflag:s15] =	ssyncset.done $0x0  }
0x88: {  	[sflag:s15] =	ssyncadd.s32 $0xFFFFF000  }
0x89: {  	[spmem:s9] =	stream.linear.scatter [tilespmem:s11], [sflag:$0x5], $0x1000, $0x38;
	[tilespmem:$0x1D100] =	vst v63  }
0x8a: {  	_ =	swait.ge [sflag:s15], $0x1000  }
0x8b: {  	[sflag:s15] =	ssyncset.done $0x0  }
0x8c: {  	[sflag:s15] =	ssyncadd.s32 $0xFFFFF000  }
0x8d: {  	[spmem:s10] =	stream.linear.scatter [tilespmem:s11], [sflag:$0x5], $0x1000, $0x38;
	[tilespmem:$0x1D100] =	vst v63  }
0x8e: {  	_ =	swait.ge [sflag:s15], $0x1000  }
0x8f: {  	[sflag:s15] =	ssyncset.done $0x0  }
0x90: {  	s23 =	sshll.u32 s8, $0x1;
	[sflag:s15] =	ssyncadd.s32 $0xFFFFF000  }
0x91: {  	s24 =	simm.s32 $0x0;
	s29 =	rddreg [dreg:$0x6];
	[bflag:$0x0] =	sbarrier.arrive $0xFFFF  }
.Ltmp2:
0x92: {  	s23 =	sor.u32 s29, s23;
	s30 =	rddreg [dreg:$0x7];
	(pc) =	sbr.rel .LBB2_6-.Ltmp2, $4  }
0x93: {  	[tilespmem:s24], [sflag:$0x1] =	stream.linear.gather [hbm4b:s30+s24], $0x800, $0x38;
	[tilespmem:$0x1D100] =	vst v63  }
0x94: {  	s25 =	simm.s32 $0x1000;
	s23 =	smul.u32 $0x180000, s23;
	s31 =	rddreg [dreg:$0x9]  }
0x95: {  	[tilespmem:s25], [sflag:$0x3] =	stream.linear.gather [hbm4b:s31+s24], $0x800, $0x38;
	[tilespmem:$0x1D100] =	vst v63  }
0x96: {  	s28 =	simm.s32 $0x0;
	v2 =	vmov s23;
	s25 =	simm.s32 $0x0  }
.LBB2_16:
0x97: {  	s25 =	sadd.s32 $0x1, s25  }
0x98: {  	p0 =	sne.s32 s25, $0xC0  }
.Ltmp3:
0x99: {  	_ = 	snop;
	(pc) =	sbr.rel @!p0 .LBB2_17-.Ltmp3, $1  }
0x9a: {  	_ =	sdelay $0x3  }
.LBB2_6:
0x9b: {  	_ =	swait.ge [sflag:s16], $0x800  }
0x9c: {  	[sflag:s16] =	ssyncset.done $0x0  }
0x9d: {  	s26 =	sshll.u32 s25, $0xC;
	[sflag:s16] =	ssyncadd.s32 $0xFFFFF800  }
0x9e: {  	s29 =	sadd.s32 s26, s12;
	_ =	swait.ge [sflag:s17], $0x800  }
0x9f: {  	s29 =	sshrl.u32 s29, $0x3;
	[sflag:s17] =	ssyncset.done $0x0  }
0xa0: {  	s30 =	sadd.s32 s2, s29;
	[sflag:s17] =	ssyncadd.s32 $0xFFFFF800  }
0xa1: {  	[tilespmem:s18], [sflag:$0x2] =	stream.linear.gather [hbm4b:s30+s24], $0x800, $0x38;
	[tilespmem:$0x1D100] =	vst v63  }
0xa2: {  	s29 =	sadd.s32 s1, s29  }
0xa3: {  	[tilespmem:s19], [sflag:$0x4] =	stream.linear.gather [hbm4b:s29+s24], $0x800, $0x38;
	[tilespmem:$0x1D100] =	vst v63  }
0xa4: {  	s29 =	simm.s32 $0x0  }
0xa5: {  	v3 =	vld [tilespmem:s29+$0x0];
	_ =	sdelay $0x2  }
0xa6: {  	v4 =	vld [tilespmem:s29+$0x1000];
	_ =	sdelay $0x1  }
0xa7: {  	v3 =	vsub.s32 v3, v2  }
0xa8: {  	vm0 =	vlt.u32 v3, $0x180000  }
0xa9: {  	[tilespmem:s28+$0x2000] =	vst.msk vm0, v3;
	v3 =	vmpcnt.ones.xlane vm0  }
0xaa: {  	[tilespmem:s28+$0x3080] =	vst.msk vm0, v4  }
0xab: {  	v4 =	vld [tilespmem:s29+$0x10];
	(v2sf) =	vpush v3, $0x0;
	_ =	sdelay $0x4  }
0xac: {  	v3 =	vsub.s32 v4, v2  }
0xad: {  	vm13 =	vlt.u32 v3, $0x180000  }
0xae: {  	v4 =	vmpcnt.ones.xlane vm13;
	_ =	sdelay $0x1  }
0xaf: {  	(v2sf) =	vpush v4, $0x0;
	_ =	sdelay $0x3  }
0xb0: {  	v4 =	vld [tilespmem:s29+$0x1010];
	_ =	sdelay $0x1  }
0xb1: {  	s30 =	spop (v2sf)  }
0xb2: {  	s28 =	sadd.s32 s28, s30  }
0xb3: {  	[tilespmem:s28+$0x2000] =	vst.msk vm13, v3  }
0xb4: {  	[tilespmem:s28+$0x3080] =	vst.msk vm13, v4  }
0xb5: {  	v3 =	vld [tilespmem:s29+$0x20];
	_ =	sdelay $0x2  }
0xb6: {  	v4 =	vld [tilespmem:s29+$0x1020];
	_ =	sdelay $0x1  }
0xb7: {  	v3 =	vsub.s32 v3, v2;
	s30 =	spop (v2sf)  }
0xb8: {  	s28 =	sadd.s32 s28, s30;
	vm14 =	vlt.u32 v3, $0x180000  }
0xb9: {  	[tilespmem:s28+$0x2000] =	vst.msk vm14, v3;
	v3 =	vmpcnt.ones.xlane vm14  }
0xba: {  	[tilespmem:s28+$0x3080] =	vst.msk vm14, v4  }
0xbb: {  	v4 =	vld [tilespmem:s29+$0x30];
	(v2sf) =	vpush v3, $0x0;
	_ =	sdelay $0x4  }
0xbc: {  	v3 =	vsub.s32 v4, v2  }
0xbd: {  	vm15 =	vlt.u32 v3, $0x180000  }
0xbe: {  	v4 =	vmpcnt.ones.xlane vm15;
	_ =	sdelay $0x1  }
0xbf: {  	(v2sf) =	vpush v4, $0x0;
	_ =	sdelay $0x3  }
0xc0: {  	v4 =	vld [tilespmem:s29+$0x1030];
	_ =	sdelay $0x1  }
0xc1: {  	s29 =	spop (v2sf)  }
0xc2: {  	s31 =	sadd.s32 s28, s29  }
0xc3: {  	[tilespmem:s31+$0x2000] =	vst.msk vm15, v3  }
0xc4: {  	s28 =	simm.s32 $0x40;
	[tilespmem:s31+$0x3080] =	vst.msk vm15, v4  }
0xc5: {  	v4 =	vld [tilespmem:s28+$0x0];
	_ =	sdelay $0x3  }
0xc6: {  	v3 =	vld [tilespmem:s28+$0x1000]  }
0xc7: {  	s29 =	simm.s32 $0x200;
	v4 =	vsub.s32 v4, v2;
	s30 =	spop (v2sf)  }
.LBB2_7:
0xc8: {  	p0 =	sne.s32 s29, $0x1F00  }
0xc9: {  	vm0 =	vlt.u32 v4, $0x180000;
	s31 =	sadd.s32 s31, s30;
	s30 =	smov.u32 s29;
	s29 =	sadd.s32 $0x100, s29  }
0xca: {  	[tilespmem:s31+$0x2000] =	vst.msk vm0, v4;
	v4 =	vmpcnt.ones.xlane vm0  }
0xcb: {  	[tilespmem:s31+$0x3080] =	vst.msk vm0, v3  }
0xcc: {  	v3 =	vld [tilespmem:s28+$0x10];
	(v2sf) =	vpush v4, $0x0;
	_ =	sdelay $0x4  }
0xcd: {  	v3 =	vsub.s32 v3, v2  }
0xce: {  	vm0 =	vlt.u32 v3, $0x180000  }
0xcf: {  	v4 =	vmpcnt.ones.xlane vm0;
	_ =	sdelay $0x1  }
0xd0: {  	(v2sf) =	vpush v4, $0x0;
	_ =	sdelay $0x3  }
0xd1: {  	v4 =	vld [tilespmem:s28+$0x1010];
	_ =	sdelay $0x1  }
0xd2: {  	s0 =	spop (v2sf)  }
0xd3: {  	s0 =	sadd.s32 s31, s0  }
0xd4: {  	[tilespmem:s0+$0x2000] =	vst.msk vm0, v3  }
0xd5: {  	[tilespmem:s0+$0x3080] =	vst.msk vm0, v4  }
0xd6: {  	v3 =	vld [tilespmem:s28+$0x20];
	_ =	sdelay $0x2  }
0xd7: {  	v4 =	vld [tilespmem:s28+$0x1020];
	_ =	sdelay $0x1  }
0xd8: {  	v3 =	vsub.s32 v3, v2;
	s31 =	spop (v2sf)  }
0xd9: {  	s0 =	sadd.s32 s0, s31;
	vm0 =	vlt.u32 v3, $0x180000  }
0xda: {  	[tilespmem:s0+$0x2000] =	vst.msk vm0, v3;
	v3 =	vmpcnt.ones.xlane vm0  }
0xdb: {  	[tilespmem:s0+$0x3080] =	vst.msk vm0, v4  }
0xdc: {  	v4 =	vld [tilespmem:s28+$0x30];
	(v2sf) =	vpush v3, $0x0  }
0xdd: {  	v3 =	vld [tilespmem:s28+$0x1030];
	_ =	sdelay $0x3  }
0xde: {  	v4 =	vsub.s32 v4, v2  }
0xdf: {  	vm0 =	vlt.u32 v4, $0x180000  }
0xe0: {  	v5 =	vmpcnt.ones.xlane vm0;
	_ =	sdelay $0x1  }
0xe1: {  	(v2sf) =	vpush v5, $0x0;
	_ =	sdelay $0x5  }
0xe2: {  	s28 =	spop (v2sf)  }
0xe3: {  	s31 =	sadd.s32 s0, s28  }
0xe4: {  	[tilespmem:s31+$0x2000] =	vst.msk vm0, v4  }
0xe5: {  	s28 =	sshra.s32 s30, $0x2;
	[tilespmem:s31+$0x3080] =	vst.msk vm0, v3  }
0xe6: {  	v4 =	vld [tilespmem:s28+$0x0]  }
.Ltmp4:
0xe7: {  	(pc) =	sbr.rel @p0 .LBB2_7-.Ltmp4, $3  }
0xe8: {  	_ = 	snop  }
0xe9: {  	v3 =	vld [tilespmem:s28+$0x1000];
	_ =	sdelay $0x1  }
0xea: {  	v4 =	vsub.s32 v4, v2;
	s30 =	spop (v2sf)  }
0xeb: {  	vm0 =	vlt.u32 v4, $0x180000;
	s0 =	sadd.s32 s31, s30  }
0xec: {  	[tilespmem:s0+$0x2000] =	vst.msk vm0, v4;
	v59 =	vmpcnt.ones.xlane vm0  }
0xed: {  	[tilespmem:s0+$0x3080] =	vst.msk vm0, v3  }
0xee: {  	v3 =	vld [tilespmem:s28+$0x10];
	(v2sf) =	vpush v59, $0x0;
	_ =	sdelay $0x4  }
0xef: {  	v3 =	vsub.s32 v3, v2  }
0xf0: {  	vm13 =	vlt.u32 v3, $0x180000  }
0xf1: {  	v60 =	vmpcnt.ones.xlane vm13;
	_ =	sdelay $0x1  }
0xf2: {  	(v2sf) =	vpush v60, $0x0;
	_ =	sdelay $0x3  }
0xf3: {  	v61 =	vld [tilespmem:s28+$0x1010];
	_ =	sdelay $0x1  }
0xf4: {  	s29 =	spop (v2sf)  }
0xf5: {  	s0 =	sadd.s32 s0, s29  }
0xf6: {  	[tilespmem:s0+$0x2000] =	vst.msk vm13, v3  }
0xf7: {  	[tilespmem:s0+$0x3080] =	vst.msk vm13, v61  }
0xf8: {  	v3 =	vld [tilespmem:s28+$0x20];
	_ =	sdelay $0x2  }
0xf9: {  	v4 =	vld [tilespmem:s28+$0x1020];
	_ =	sdelay $0x1  }
0xfa: {  	v3 =	vsub.s32 v3, v2;
	s31 =	spop (v2sf)  }
0xfb: {  	s0 =	sadd.s32 s0, s31;
	vm14 =	vlt.u32 v3, $0x180000  }
0xfc: {  	[tilespmem:s0+$0x2000] =	vst.msk vm14, v3  }
0xfd: {  	[tilespmem:s0+$0x3080] =	vst.msk vm14, v4  }
0xfe: {  	v3 =	vld [tilespmem:s28+$0x30];
	_ =	sdelay $0x4  }
0xff: {  	v3 =	vsub.s32 v3, v2  }
0x100: {  	v62 =	vmpcnt.ones.xlane vm14;
	vm15 =	vlt.u32 v3, $0x180000  }
0x101: {  	v5 =	vmpcnt.ones.xlane vm15  }
0x102: {  	(v2sf) =	vpush v62, $0x0  }
0x103: {  	(v2sf) =	vpush v5, $0x0;
	_ =	sdelay $0xd  }
0x104: {  	v63 =	vld [tilespmem:s28+$0x1030];
	s28 =	spop (v2sf)  }
0x105: {  	s0 =	sadd.s32 s0, s28;
	s28 =	spop (v2sf)  }
0x106: {  	s28 =	sadd.s32 s0, s28  }
0x107: {  	p0 =	slt.s32 s28, $0x800  }
.Ltmp5:
0x108: {  	_ = 	snop;
	(pc) =	sbr.rel @p0 .LBB2_11-.Ltmp5, $3  }
0x109: {  	_ =	sdelay $0x1  }
0x10a: {  	[tilespmem:s0+$0x2000] =	vst.msk vm15, v3  }
0x10b: {  	[tilespmem:s0+$0x3080] =	vst.msk vm15, v63  }
0x10c: {  	s29 =	simm.s32 $0x2000;
	s30 =	simm.s32 $0x3080  }
0x10d: {  	[spmem:s5] =	stream.indirect.scatter.add.f32 [tilespmem:s30], [sflag:$0x5], $0x1, s29, s20, $0xb8;
	[tilespmem:$0x1D100] =	vst v63  }
0x10e: {  	_ =	swait.ge [sflag:s15], $0x1010  }
0x10f: {  	s28 =	simm.s32 $0x0;
	[sflag:s15] =	ssyncset.done $0x0  }
0x110: {  	v3 =	vor.u32 s28, v1;
	[sflag:s15] =	ssyncadd.s32 $0xFFFFEFF0  }
0x111: {  	[tilespmem:s29+$0x0] =	vst v3  }
0x112: {  	s31 =	simm.s32 $0x10;
	[tilespmem:s30+$0x0] =	vst v0  }
.LBB2_10:
0x113: {  	p0 =	sne.s32 s31, $0x1000  }
.Ltmp6:
0x114: {  	_ = 	snop;
	(pc) =	sbr.rel @p0 .LBB2_10-.Ltmp6, $4  }
0x115: {  	_ = 	snop  }
0x116: {  	v3 =	vor.u32 s31, v1;
	s29 =	sadd.s32 $0x10, s29  }
0x117: {  	s31 =	sadd.s32 $0x10, s31;
	s30 =	sadd.s32 $0x10, s30;
	[tilespmem:s29+$0x0] =	vst v3  }
0x118: {  	[tilespmem:s30+$0x0] =	vst v0  }
.LBB2_11:
0x119: {  	_ =	swait.ge [sflag:s21], $0x800  }
0x11a: {  	[sflag:s21] =	ssyncset.done $0x0  }
0x11b: {  	p0 =	seq.s32 s25, $0xBF;
	[sflag:s21] =	ssyncadd.s32 $0xFFFFF800  }
0x11c: {  	s0 =	sadd.s32 @!p0 s26, s13;
	_ =	swait.ge [sflag:s22], $0x800  }
0x11d: {  	s0 =	sshrl.u32 @!p0 s0, $0x3;
	[sflag:s22] =	ssyncset.done $0x0  }
0x11e: {  	s29 =	simm.s32 @!p0 $0x0;
	s26 =	sadd.s32 @!p0 s2, s0;
	[sflag:s22] =	ssyncadd.s32 $0xFFFFF800  }
0x11f: {  	[tilespmem:s29], [sflag:$0x1] =	stream.linear.gather @!p0 [hbm4b:s26+s29], $0x800, $0x38;
	[tilespmem:$0x1D100] =	vst v63  }
0x120: {  	s0 =	sadd.s32 @!p0 s1, s0;
	s26 =	simm.s32 @!p0 $0x1000  }
0x121: {  	[tilespmem:s26], [sflag:$0x3] =	stream.linear.gather @!p0 [hbm4b:s0+s29], $0x800, $0x38;
	[tilespmem:$0x1D100] =	vst v63  }
0x122: {  	s0 =	simm.s32 $0x0  }
0x123: {  	v3 =	vld [tilespmem:s0+$0x800];
	_ =	sdelay $0x2  }
0x124: {  	v4 =	vld [tilespmem:s0+$0x1800];
	_ =	sdelay $0x1  }
0x125: {  	v3 =	vsub.s32 v3, v2  }
0x126: {  	vm0 =	vlt.u32 v3, $0x180000  }
0x127: {  	[tilespmem:s28+$0x2000] =	vst.msk vm0, v3;
	v3 =	vmpcnt.ones.xlane vm0  }
0x128: {  	[tilespmem:s28+$0x3080] =	vst.msk vm0, v4  }
0x129: {  	v4 =	vld [tilespmem:s0+$0x810];
	(v2sf) =	vpush v3, $0x0;
	_ =	sdelay $0x4  }
0x12a: {  	v3 =	vsub.s32 v4, v2  }
0x12b: {  	vm13 =	vlt.u32 v3, $0x180000  }
0x12c: {  	v4 =	vmpcnt.ones.xlane vm13;
	_ =	sdelay $0x1  }
0x12d: {  	(v2sf) =	vpush v4, $0x0;
	_ =	sdelay $0x3  }
0x12e: {  	v4 =	vld [tilespmem:s0+$0x1810];
	_ =	sdelay $0x1  }
0x12f: {  	s31 =	spop (v2sf)  }
0x130: {  	s26 =	sadd.s32 s28, s31  }
0x131: {  	[tilespmem:s26+$0x2000] =	vst.msk vm13, v3  }
0x132: {  	[tilespmem:s26+$0x3080] =	vst.msk vm13, v4  }
0x133: {  	v3 =	vld [tilespmem:s0+$0x820];
	_ =	sdelay $0x2  }
0x134: {  	v4 =	vld [tilespmem:s0+$0x1820];
	_ =	sdelay $0x1  }
0x135: {  	v3 =	vsub.s32 v3, v2;
	s28 =	spop (v2sf)  }
0x136: {  	s26 =	sadd.s32 s26, s28;
	vm14 =	vlt.u32 v3, $0x180000  }
0x137: {  	[tilespmem:s26+$0x2000] =	vst.msk vm14, v3;
	v3 =	vmpcnt.ones.xlane vm14  }
0x138: {  	[tilespmem:s26+$0x3080] =	vst.msk vm14, v4  }
0x139: {  	v4 =	vld [tilespmem:s0+$0x830];
	(v2sf) =	vpush v3, $0x0;
	_ =	sdelay $0x4  }
0x13a: {  	v3 =	vsub.s32 v4, v2  }
0x13b: {  	vm15 =	vlt.u32 v3, $0x180000  }
0x13c: {  	v4 =	vmpcnt.ones.xlane vm15;
	_ =	sdelay $0x1  }
0x13d: {  	(v2sf) =	vpush v4, $0x0;
	_ =	sdelay $0x3  }
0x13e: {  	v4 =	vld [tilespmem:s0+$0x1830];
	_ =	sdelay $0x1  }
0x13f: {  	s31 =	spop (v2sf)  }
0x140: {  	s30 =	sadd.s32 s26, s31  }
0x141: {  	[tilespmem:s30+$0x2000] =	vst.msk vm15, v3  }
0x142: {  	s26 =	simm.s32 $0x40;
	[tilespmem:s30+$0x3080] =	vst.msk vm15, v4  }
0x143: {  	v4 =	vld [tilespmem:s26+$0x800];
	_ =	sdelay $0x3  }
0x144: {  	v3 =	vld [tilespmem:s26+$0x1800]  }
0x145: {  	s28 =	simm.s32 $0x200;
	v4 =	vsub.s32 v4, v2;
	s29 =	spop (v2sf)  }
.LBB2_12:
0x146: {  	p0 =	sne.s32 s28, $0x1F00  }
0x147: {  	vm0 =	vlt.u32 v4, $0x180000;
	s0 =	sadd.s32 s30, s29;
	s29 =	smov.u32 s28;
	s28 =	sadd.s32 $0x100, s28  }
0x148: {  	[tilespmem:s0+$0x2000] =	vst.msk vm0, v4;
	v4 =	vmpcnt.ones.xlane vm0  }
0x149: {  	[tilespmem:s0+$0x3080] =	vst.msk vm0, v3  }
0x14a: {  	v3 =	vld [tilespmem:s26+$0x810];
	(v2sf) =	vpush v4, $0x0;
	_ =	sdelay $0x4  }
0x14b: {  	v3 =	vsub.s32 v3, v2  }
0x14c: {  	vm0 =	vlt.u32 v3, $0x180000  }
0x14d: {  	v4 =	vmpcnt.ones.xlane vm0;
	_ =	sdelay $0x1  }
0x14e: {  	(v2sf) =	vpush v4, $0x0;
	_ =	sdelay $0x3  }
0x14f: {  	v4 =	vld [tilespmem:s26+$0x1810];
	_ =	sdelay $0x1  }
0x150: {  	s30 =	spop (v2sf)  }
0x151: {  	s0 =	sadd.s32 s0, s30  }
0x152: {  	[tilespmem:s0+$0x2000] =	vst.msk vm0, v3  }
0x153: {  	[tilespmem:s0+$0x3080] =	vst.msk vm0, v4  }
0x154: {  	v3 =	vld [tilespmem:s26+$0x820];
	_ =	sdelay $0x2  }
0x155: {  	v4 =	vld [tilespmem:s26+$0x1820];
	_ =	sdelay $0x1  }
0x156: {  	v3 =	vsub.s32 v3, v2;
	s30 =	spop (v2sf)  }
0x157: {  	s0 =	sadd.s32 s0, s30;
	vm0 =	vlt.u32 v3, $0x180000  }
0x158: {  	[tilespmem:s0+$0x2000] =	vst.msk vm0, v3;
	v3 =	vmpcnt.ones.xlane vm0  }
0x159: {  	[tilespmem:s0+$0x3080] =	vst.msk vm0, v4  }
0x15a: {  	v4 =	vld [tilespmem:s26+$0x830];
	(v2sf) =	vpush v3, $0x0  }
0x15b: {  	v3 =	vld [tilespmem:s26+$0x1830];
	_ =	sdelay $0x3  }
0x15c: {  	v4 =	vsub.s32 v4, v2  }
0x15d: {  	vm0 =	vlt.u32 v4, $0x180000  }
0x15e: {  	v5 =	vmpcnt.ones.xlane vm0;
	_ =	sdelay $0x1  }
0x15f: {  	(v2sf) =	vpush v5, $0x0;
	_ =	sdelay $0x5  }
0x160: {  	s26 =	spop (v2sf)  }
0x161: {  	s30 =	sadd.s32 s0, s26  }
0x162: {  	[tilespmem:s30+$0x2000] =	vst.msk vm0, v4  }
0x163: {  	s26 =	sshra.s32 s29, $0x2;
	[tilespmem:s30+$0x3080] =	vst.msk vm0, v3  }
0x164: {  	v4 =	vld [tilespmem:s26+$0x800]  }
.Ltmp7:
0x165: {  	(pc) =	sbr.rel @p0 .LBB2_12-.Ltmp7, $3  }
0x166: {  	_ = 	snop  }
0x167: {  	v3 =	vld [tilespmem:s26+$0x1800];
	_ =	sdelay $0x1  }
0x168: {  	v4 =	vsub.s32 v4, v2;
	s29 =	spop (v2sf)  }
0x169: {  	vm0 =	vlt.u32 v4, $0x180000;
	s0 =	sadd.s32 s30, s29  }
0x16a: {  	[tilespmem:s0+$0x2000] =	vst.msk vm0, v4;
	v59 =	vmpcnt.ones.xlane vm0  }
0x16b: {  	[tilespmem:s0+$0x3080] =	vst.msk vm0, v3  }
0x16c: {  	v3 =	vld [tilespmem:s26+$0x810];
	(v2sf) =	vpush v59, $0x0;
	_ =	sdelay $0x4  }
0x16d: {  	v3 =	vsub.s32 v3, v2  }
0x16e: {  	vm13 =	vlt.u32 v3, $0x180000  }
0x16f: {  	v60 =	vmpcnt.ones.xlane vm13;
	_ =	sdelay $0x1  }
0x170: {  	(v2sf) =	vpush v60, $0x0;
	_ =	sdelay $0x3  }
0x171: {  	v61 =	vld [tilespmem:s26+$0x1810];
	_ =	sdelay $0x1  }
0x172: {  	s28 =	spop (v2sf)  }
0x173: {  	s0 =	sadd.s32 s0, s28  }
0x174: {  	[tilespmem:s0+$0x2000] =	vst.msk vm13, v3  }
0x175: {  	[tilespmem:s0+$0x3080] =	vst.msk vm13, v61  }
0x176: {  	v3 =	vld [tilespmem:s26+$0x820];
	_ =	sdelay $0x2  }
0x177: {  	v4 =	vld [tilespmem:s26+$0x1820];
	_ =	sdelay $0x1  }
0x178: {  	v3 =	vsub.s32 v3, v2;
	s28 =	spop (v2sf)  }
0x179: {  	s0 =	sadd.s32 s0, s28;
	vm14 =	vlt.u32 v3, $0x180000  }
0x17a: {  	[tilespmem:s0+$0x2000] =	vst.msk vm14, v3  }
0x17b: {  	[tilespmem:s0+$0x3080] =	vst.msk vm14, v4  }
0x17c: {  	v3 =	vld [tilespmem:s26+$0x830];
	_ =	sdelay $0x4  }
0x17d: {  	v3 =	vsub.s32 v3, v2  }
0x17e: {  	v62 =	vmpcnt.ones.xlane vm14;
	vm15 =	vlt.u32 v3, $0x180000  }
0x17f: {  	v5 =	vmpcnt.ones.xlane vm15  }
0x180: {  	(v2sf) =	vpush v62, $0x0  }
0x181: {  	(v2sf) =	vpush v5, $0x0;
	_ =	sdelay $0xd  }
0x182: {  	s30 =	spop (v2sf)  }
0x183: {  	s0 =	sadd.s32 s0, s30;
	s31 =	spop (v2sf)  }
0x184: {  	s28 =	sadd.s32 s0, s31  }
0x185: {  	v63 =	vld [tilespmem:s26+$0x1830];
	p0 =	slt.s32 s28, $0x800  }
.Ltmp8:
0x186: {  	_ = 	snop;
	(pc) =	sbr.rel @p0 .LBB2_16-.Ltmp8, $3  }
0x187: {  	_ =	sdelay $0x1  }
0x188: {  	[tilespmem:s0+$0x2000] =	vst.msk vm15, v3  }
0x189: {  	[tilespmem:s0+$0x3080] =	vst.msk vm15, v63  }
0x18a: {  	s26 =	simm.s32 $0x2000;
	s29 =	simm.s32 $0x3080  }
0x18b: {  	[spmem:s5] =	stream.indirect.scatter.add.f32 [tilespmem:s29], [sflag:$0x5], $0x1, s26, s20, $0xb8;
	[tilespmem:$0x1D100] =	vst v63  }
0x18c: {  	_ =	swait.ge [sflag:s15], $0x1010  }
0x18d: {  	s28 =	simm.s32 $0x0;
	[sflag:s15] =	ssyncset.done $0x0  }
0x18e: {  	v3 =	vor.u32 s28, v1;
	[sflag:s15] =	ssyncadd.s32 $0xFFFFEFF0  }
0x18f: {  	[tilespmem:s26+$0x0] =	vst v3  }
0x190: {  	s30 =	simm.s32 $0x10;
	[tilespmem:s29+$0x0] =	vst v0  }
.LBB2_15:
0x191: {  	p0 =	sne.s32 s30, $0x1000  }
.Ltmp9:
0x192: {  	_ = 	snop;
	(pc) =	sbr.rel @p0 .LBB2_15-.Ltmp9, $4  }
0x193: {  	_ = 	snop  }
0x194: {  	v3 =	vor.u32 s30, v1;
	s26 =	sadd.s32 $0x10, s26  }
0x195: {  	s30 =	sadd.s32 $0x10, s30;
	s29 =	sadd.s32 $0x10, s29;
	[tilespmem:s26+$0x0] =	vst v3  }
0x196: {  	[tilespmem:s29+$0x0] =	vst v0  }
.Ltmp10:
0x197: {  	_ = 	snop;
	(pc) =	sbr.rel .LBB2_16-.Ltmp10, $1  }
0x198: {  	_ =	sdelay $0x3  }
.LBB2_17:
0x199: {  	s24 =	simm.s32 $0x2000;
	s25 =	simm.s32 $0x3080  }
0x19a: {  	[spmem:s5] =	stream.indirect.scatter.add.f32 [tilespmem:s25], [sflag:$0x5], $0x1, s24, s20, $0xb8;
	[tilespmem:$0x1D100] =	vst v63  }
0x19b: {  	_ =	swait.ge [sflag:s15], $0x1010  }
0x19c: {  	s0 =	simm.s32 $0x0;
	[sflag:s15] =	ssyncset.done $0x0  }
0x19d: {  	v2 =	vor.u32 s0, v1;
	[sflag:s15] =	ssyncadd.s32 $0xFFFFEFF0  }
0x19e: {  	[tilespmem:s24+$0x0] =	vst v2  }
0x19f: {  	s26 =	simm.s32 $0x10;
	[tilespmem:s25+$0x0] =	vst v0  }
.LBB2_18:
0x1a0: {  	p0 =	sne.s32 s26, $0x1000  }
.Ltmp11:
0x1a1: {  	_ = 	snop;
	(pc) =	sbr.rel @p0 .LBB2_18-.Ltmp11, $4  }
0x1a2: {  	_ = 	snop  }
0x1a3: {  	v2 =	vor.u32 s26, v1;
	s24 =	sadd.s32 $0x10, s24  }
0x1a4: {  	s26 =	sadd.s32 $0x10, s26;
	s25 =	sadd.s32 $0x10, s25;
	[tilespmem:s24+$0x0] =	vst v2  }
0x1a5: {  	[tilespmem:s25+$0x0] =	vst v0  }
0x1a6: {  	s0 =	rddreg [dreg:$0x8]  }
0x1a7: {  	s30 =	stileid.u32;
	[bflag:$0x0] =	sbarrier.arrive $0xFFFF;
	s8 =	sadd.s32 $0x1, s8  }
0x1a8: {  	s0 =	sadd.s32 s0, s23;
	s23 =	sshll.u32 s30, $0x6;
	s24 =	rddreg [dreg:$0x2]  }
0x1a9: {  	s31 =	rddreg [dreg:$0x15];
	p0 =	sne.s32 s8, $0x10;
	s0 =	sshrl.u32 s0, $0x3  }
.Ltmp12:
0x1aa: {  	s23 =	sor.u32 $0x1C05, s23;
	s0 =	sadd.s32 s24, s0;
	(pc) =	sbr.rel @p0 .LBB2_5-.Ltmp12, $4  }
0x1ab: {  	[hbm:s0], [sflag:s23] =	dma.local [spmem:s31], $0x3000  }
0x1ac: {  	_ =	swait.ge [sflag:s15], $0x3000  }
0x1ad: {  	[sflag:s15] =	ssyncset.done $0x0  }
0x1ae: {  	[sflag:s15] =	ssyncadd.s32 $0xFFFFD000  }
0x1af: {  	s8 =	rddreg [dreg:$0x5]  }
0x1b0: {  	s0 =	rddreg [dreg:$0xa];
	s8 =	sadd.s32 $0x1, s8  }
0x1b1: {  	p0 =	sne.s32 s8, s0  }
.Ltmp13:
0x1b2: {  	_ = 	snop;
	(pc) =	sbr.rel @p0 .LBB2_1-.Ltmp13, $1  }
0x1b3: {  	_ =	sdelay $0x3  }
0x1b4: {  	_ =	sfence.sel $0x180000  }
0x1b5: {  	[bflag:$0x0] =	sbarrier.arrive $0xFFFF  }
0x1b6: {  	_ =	strace $0x90000047  }
0x1b7: {  	s0 =	stileid.u32;
	[bflag:$0x2] =	sbarrier.arrive $0xFFFF  }
0x1b8: {  	p0 =	sne.s32 s0, $0x0;
	s0 =	rddreg [dreg:$0x4]  }
0x1b9: {  	s0 =	sadd.s32 @!p0 $0x100000, s0  }
0x1ba: {  	[sflag:s0] =	ssyncadd.tile.s32 @!p0 $0x1;
	_ =	shalt  }
.Lfunc_end2:
_tile_overlayer_lowered:
.L_overlay_start_2:
0x1bb: {  	(tag) =	ssettag $0x2  }
0x1bc: {  	s0 =	rddreg [dreg:$0x0];
	s2 =	stileid.u32  }
0x1bd: {  	s1 =	rddreg [dreg:$0x1];
	p0 =	sne.s32 s2, $0x0  }
0x1be: {  	s3 =	rddreg [dreg:$0x2];
	[bflag:$0x3] =	sbarrier.arrive $0xFFFF;
	s2 =	simm.s32 @!p0 $0x1C05  }
0x1bf: {  	[timem:s3], [sflag:s2] =	dma.local @!p0 [hbm:s0], s1  }
0x1c0: {  	s0 =	simm.s32 @!p0 $0x5  }
0x1c1: {  	_ =	swait.ge @!p0 [sflag:s0], s1  }
0x1c2: {  	s1 =	ssub.s32 @!p0 $0x0, s1;
	[sflag:s0] =	ssyncset.done @!p0 $0x0  }
0x1c3: {  	[sflag:s0] =	ssyncadd.s32 @!p0 s1  }
0x1c4: {  	[bflag:$0x3] =	sbarrier.arrive $0xFFFF  }
0x1c5: {  	_ =	shalt  }

</sc_bundles>
